<compile_context>
chip_gen: v7x
topology: tpu7x:2x2x1
jax: 0.10.2.dev20260603
libtpu: 0.0.44.dev20260713+nightly
codegen_flags: <defaults>
</compile_context>

<pallas_src>
import functools

import jax
import jax.numpy as jnp
from jax import lax
from jax.experimental import pallas as pl
from jax.experimental.pallas import tpu as pltpu
from jax.experimental.pallas import tpu_sc as plsc

N = 10000
C = 128
H = 4
NP = 10240
NPW = NP * 4
NC = 2
NS = 16
WORKERS = NC * NS
CHUNK = 128
GRPS = CHUNK // 16
RED = NPW // 16
NEG = -3.4e38


def _iota16():
    return lax.iota(jnp.int32, 16)


def _take(v, idx):
    return jnp.take_along_axis(v, idx, axis=0, mode="promise_in_bounds")


def _tc_tables_body(x_ref, w_ref, b_ref, tab_ref):
    t = jnp.dot(x_ref[...], w_ref[...], preferred_element_type=jnp.float32)
    t = t + b_ref[...]
    tab_ref[0:N, :] = t
    tab_ref[N:NP, :] = jnp.zeros((NP - N, 8), jnp.float32)


def _alpha16(rrows, crows, pos, ev):
    aev = jnp.abs(ev)
    out = []
    for k in range(H):
        ar = plsc.load_gather(rrows, [pos, jnp.full((16,), k, jnp.int32)])
        ac = plsc.load_gather(crows, [pos, jnp.full((16,), 4 + k, jnp.int32)])
        s = (ar + ac) * aev
        out.append(jnp.where(s >= 0.0, s, 0.2 * s) * 100.0)
    return out


def _sc_amax_body(ew, nchunk, row_h, col_h, ea_h, tab_h, parts_h,
                  amax_v, rbuf, cbuf, ebuf, rrows, crows):
    wid = lax.axis_index("s") * NC + lax.axis_index("c")

    def init_i(i, _):
        amax_v[pl.ds(i * 16, 16)] = jnp.full((16,), NEG, jnp.float32)
        return 0
    lax.fori_loop(0, NPW // 16, init_i, 0)

    iota = _iota16()
    ebase = wid * ew

    def chunk_i(i, _):
        base = ebase + i * CHUNK
        pltpu.sync_copy(row_h.at[pl.ds(base, CHUNK)], rbuf)
        pltpu.sync_copy(col_h.at[pl.ds(base, CHUNK)], cbuf)
        pltpu.sync_copy(ea_h.at[pl.ds(base, CHUNK)], ebuf)
        pltpu.sync_copy(tab_h.at[rbuf], rrows)
        pltpu.sync_copy(tab_h.at[cbuf], crows)

        def grp_g(g, _):
            sl = pl.ds(g * 16, 16)
            rs, perm = plsc.sort_key_val(rbuf[sl], iota)
            pos = perm + g * 16
            es = _take(ebuf[sl], perm)
            al = _alpha16(rrows, crows, pos, es)
            for d in (1, 2, 4, 8):
                idxd = jnp.maximum(iota - d, 0)
                eq = _take(rs, idxd) == rs
                for k in range(H):
                    vsh = _take(al[k], idxd)
                    al[k] = jnp.where(eq, jnp.maximum(al[k], vsh), al[k])
            nxt = _take(rs, jnp.minimum(iota + 1, 15))
            lastm = (rs != nxt) | (iota == 15)
            r4 = rs * 4
            for k in range(H):
                cur = plsc.load_gather(amax_v, [r4 + k], mask=lastm)
                plsc.store_scatter(amax_v, [r4 + k],
                                   jnp.maximum(cur, al[k]), mask=lastm)
            return 0
        lax.fori_loop(0, GRPS, grp_g, 0)
        return 0
    lax.fori_loop(0, nchunk, chunk_i, 0)
    pltpu.sync_copy(amax_v, parts_h.at[pl.ds(wid * NPW, NPW)])


def _sc_reduce_body(parts_h, amaxg_h, acc, tmp):
    wid = lax.axis_index("s") * NC + lax.axis_index("c")
    seg = wid * RED

    @pl.when(wid < 16)
    def _():
        pltpu.sync_copy(parts_h.at[pl.ds(seg, RED)], acc)

        def tab_t(t, _):
            pltpu.sync_copy(parts_h.at[pl.ds(t * NPW + seg, RED)], tmp)

            def red_i(i, _):
                sl = pl.ds(i * 16, 16)
                acc[sl] = jnp.maximum(acc[sl], tmp[sl])
                return 0
            lax.fori_loop(0, RED // 16, red_i, 0)
            return 0
        lax.fori_loop(1, WORKERS, tab_t, 0)
        pltpu.sync_copy(acc, amaxg_h.at[pl.ds(seg, RED)])


def _sc_ex_body(ew, nchunk, row_h, col_h, ea_h, tab_h, amaxg_h, zer_h,
                ex_h, sparts_h, rbuf, cbuf, ebuf, rrows, crows, mrows,
                exstage, ssum_sh):
    c = lax.axis_index("c")
    s = lax.axis_index("s")
    wid = s * NC + c
    rows_per = NP // NS
    pltpu.sync_copy(zer_h.at[pl.ds(s * rows_per, rows_per)],
                    ssum_sh.at[pl.ds(s * rows_per, rows_per)])
    plsc.subcore_barrier()

    iota = _iota16()
    ebase = wid * ew

    def chunk_i(i, _):
        base = ebase + i * CHUNK
        pltpu.sync_copy(row_h.at[pl.ds(base, CHUNK)], rbuf)
        pltpu.sync_copy(col_h.at[pl.ds(base, CHUNK)], cbuf)
        pltpu.sync_copy(ea_h.at[pl.ds(base, CHUNK)], ebuf)
        pltpu.sync_copy(tab_h.at[rbuf], rrows)
        pltpu.sync_copy(tab_h.at[cbuf], crows)
        pltpu.sync_copy(amaxg_h.at[rbuf], mrows)

        def grp_g(g, _):
            sl = pl.ds(g * 16, 16)
            pos = iota + g * 16
            al = _alpha16(rrows, crows, pos, ebuf[sl])
            for k in range(H):
                kk = jnp.full((16,), k, jnp.int32)
                m = plsc.load_gather(mrows, [pos, kk])
                plsc.store_scatter(exstage, [pos, kk], jnp.exp(al[k] - m))
            return 0
        lax.fori_loop(0, GRPS, grp_g, 0)
        pltpu.sync_copy(exstage, ex_h.at[pl.ds(base, CHUNK)])
        pltpu.sync_copy(exstage, ssum_sh.at[rbuf], add=True)
        return 0
    lax.fori_loop(0, nchunk, chunk_i, 0)
    plsc.subcore_barrier()

    @pl.when(s == 0)
    def _():
        pltpu.sync_copy(ssum_sh, sparts_h.at[c])


def _sc_norm_body(ew, nchunk, row_h, ex_h, sparts_h, out_h,
                  rbuf, exch, s0rows, s1rows, outst):
    wid = lax.axis_index("s") * NC + lax.axis_index("c")
    iota = _iota16()
    ebase = wid * ew

    def chunk_i(i, _):
        base = ebase + i * CHUNK
        pltpu.sync_copy(row_h.at[pl.ds(base, CHUNK)], rbuf)
        pltpu.sync_copy(ex_h.at[pl.ds(base, CHUNK)], exch)
        pltpu.sync_copy(sparts_h.at[0].at[rbuf], s0rows)
        pltpu.sync_copy(sparts_h.at[1].at[rbuf], s1rows)

        def grp_g(g, _):
            pos = iota + g * 16
            for k in range(H):
                kk = jnp.full((16,), k, jnp.int32)
                ex = plsc.load_gather(exch, [pos, kk])
                u0 = plsc.load_gather(s0rows, [pos, kk])
                u1 = plsc.load_gather(s1rows, [pos, kk])
                plsc.store_scatter(outst, [pos, kk], ex / (u0 + u1 + 1e-16))
            return 0
        lax.fori_loop(0, GRPS, grp_g, 0)
        pltpu.sync_copy(outst, out_h.at[pl.ds(base, CHUNK)])
        return 0
    lax.fori_loop(0, nchunk, chunk_i, 0)


def kernel(x, edge_index, edge_attr, W, b):
    E = edge_index.shape[1]
    T = E + N
    per_w = -(-T // (WORKERS * CHUNK)) * CHUNK
    EP = per_w * WORKERS
    nchunk = per_w // CHUNK

    row = edge_index[0]
    col = edge_index[1]
    loop = jnp.arange(N, dtype=row.dtype)
    padv = jnp.full((EP - T,), N, row.dtype)
    rowcat = jnp.concatenate([row, loop, padv])
    colcat = jnp.concatenate([col, loop, padv])
    eacat = jnp.concatenate([edge_attr, jnp.ones((EP - E,), edge_attr.dtype)])

    wcat = jnp.concatenate([W[:C], W[C:]], axis=1)
    bcat = jnp.concatenate([b, jnp.zeros((4,), b.dtype)]).reshape(1, 8)

    tab = pl.pallas_call(
        _tc_tables_body,
        out_shape=jax.ShapeDtypeStruct((NP, 8), jnp.float32),
    )(x, wcat, bcat)

    mesh = plsc.VectorSubcoreMesh(core_axis_name="c", subcore_axis_name="s")
    sc_params = pltpu.CompilerParams(needs_layout_passes=False,
                                     use_tc_tiling_on_sc=False)

    amax_parts = pl.kernel(
        functools.partial(_sc_amax_body, per_w, nchunk),
        out_type=jax.ShapeDtypeStruct((WORKERS * NPW,), jnp.float32),
        mesh=mesh,
        compiler_params=sc_params,
        scratch_types=[
            pltpu.VMEM((NPW,), jnp.float32),
            pltpu.VMEM((CHUNK,), jnp.int32),
            pltpu.VMEM((CHUNK,), jnp.int32),
            pltpu.VMEM((CHUNK,), jnp.float32),
            pltpu.VMEM((CHUNK, 8), jnp.float32),
            pltpu.VMEM((CHUNK, 8), jnp.float32),
        ],
    )(rowcat, colcat, eacat, tab)

    amax_g = pl.kernel(
        _sc_reduce_body,
        out_type=jax.ShapeDtypeStruct((NPW,), jnp.float32),
        mesh=mesh,
        compiler_params=sc_params,
        scratch_types=[
            pltpu.VMEM((RED,), jnp.float32),
            pltpu.VMEM((RED,), jnp.float32),
        ],
    )(amax_parts)

    zeros2d = jnp.zeros((NP, 4), jnp.float32)
    exbuf, sum_parts = pl.kernel(
        functools.partial(_sc_ex_body, per_w, nchunk),
        out_type=(
            jax.ShapeDtypeStruct((EP, 4), jnp.float32),
            jax.ShapeDtypeStruct((NC, NP, 4), jnp.float32),
        ),
        mesh=mesh,
        compiler_params=sc_params,
        scratch_types=[
            pltpu.VMEM((CHUNK,), jnp.int32),
            pltpu.VMEM((CHUNK,), jnp.int32),
            pltpu.VMEM((CHUNK,), jnp.float32),
            pltpu.VMEM((CHUNK, 8), jnp.float32),
            pltpu.VMEM((CHUNK, 8), jnp.float32),
            pltpu.VMEM((CHUNK, 4), jnp.float32),
            pltpu.VMEM((CHUNK, 4), jnp.float32),
            pltpu.VMEM_SHARED((NP, 4), jnp.float32),
        ],
    )(rowcat, colcat, eacat, tab, amax_g.reshape(NP, 4), zeros2d)

    out_full = pl.kernel(
        functools.partial(_sc_norm_body, per_w, nchunk),
        out_type=jax.ShapeDtypeStruct((EP, 4), jnp.float32),
        mesh=mesh,
        compiler_params=sc_params,
        scratch_types=[
            pltpu.VMEM((CHUNK,), jnp.int32),
            pltpu.VMEM((CHUNK, 4), jnp.float32),
            pltpu.VMEM((CHUNK, 4), jnp.float32),
            pltpu.VMEM((CHUNK, 4), jnp.float32),
            pltpu.VMEM((CHUNK, 4), jnp.float32),
        ],
    )(rowcat, exbuf, sum_parts)

    alpha = out_full[:T]
    edge_index2 = jnp.stack([rowcat[:T], colcat[:T]])
    return alpha, edge_index2

# --- scband reference (transcript-rebuilt; emitter-appended) ---
"""Pipeline reference for scband-attention-3015067042351 (READ-ONLY COPY).

The authoritative reference and input builder live on the scoring server;
editing this copy changes nothing except your own understanding.
"""

import jax, jax.numpy as jnp
import numpy as np

N = 10000
E = 320000
C = 128
H = 4

def setup_inputs(seed: int = 0) -> dict:
    key = jax.random.key(seed)
    k1, k2, k3, k4, k5, k6 = jax.random.split(key, 6)
    x = jax.random.normal(k1, (N, C), dtype=jnp.float32)
    row = jax.random.randint(k2, (E,), 0, N, dtype=jnp.int32)
    offset = jax.random.randint(k3, (E,), 1, N, dtype=jnp.int32)
    col = (row + offset) % N  # guaranteed no self loops so edge count stays static
    edge_index = jnp.stack([row, col])
    edge_attr = jax.random.normal(k4, (E,), dtype=jnp.float32)
    limit = 1.0 / np.sqrt(2 * C)
    W = jax.random.uniform(k5, (2 * C, H), minval=-limit, maxval=limit, dtype=jnp.float32)
    b = jax.random.uniform(k6, (H,), minval=-limit, maxval=limit, dtype=jnp.float32)
    return {"x": x, "edge_index": edge_index, "edge_attr": edge_attr, "W": W, "b": b}

def reference(x, edge_index, edge_attr, W, b):
    n = x.shape[0]
    # remove_self_loops: inputs are constructed with no self loops, so all E edges are kept
    row = edge_index[0]
    col = edge_index[1]
    ea = edge_attr
    # add_self_loops (appended at the end, edge_attr fill value 1.0)
    loop = jnp.arange(n, dtype=row.dtype)
    row = jnp.concatenate([row, loop])
    col = jnp.concatenate([col, loop])
    ea = jnp.concatenate([ea, jnp.ones((n,), ea.dtype)])
    edge_index2 = jnp.stack([row, col])
    # alpha_fc: Linear(2*C -> H) applied to cat([x[row], x[col]])
    alpha = jnp.concatenate([x[row], x[col]], axis=-1) @ W + b
    alpha = alpha * jnp.abs(ea)[:, None]
    alpha = jnp.where(alpha >= 0, alpha, 0.2 * alpha)  # leaky_relu(0.2)
    alpha = alpha * 100.0
    # segment softmax over destination row (PyG softmax(alpha, row))
    amax = jax.ops.segment_max(alpha, row, num_segments=n)
    amax = jnp.where(jnp.isfinite(amax), amax, 0.0)
    ex = jnp.exp(alpha - amax[row])
    ssum = jax.ops.segment_sum(ex, row, num_segments=n)
    alpha = ex / (ssum[row] + 1e-16)
    # att_dropout == 0 -> no dropout_adj; concat=True -> no mean over heads
    return alpha, edge_index2

if __name__ == "__main__":
    import jax
    _d = setup_inputs()
    print(jax.jit(kernel)(*tuple(_d.values())))

</pallas_src>

<mosaic_0001>
#map = affine_map<(d0, d1) -> (0)>
module attributes {stable_mosaic.version = 14 : i64} {
  func.func @_sc_reduce_body(%arg0: i32, %arg1: i32, %arg2: memref<1310720xf32, #tpu.memory_space<hbm>>, %arg3: memref<40960xf32, #tpu.memory_space<hbm>>, %arg4: memref<2560xf32, #tpu.memory_space<vmem>>, %arg5: memref<2560xf32, #tpu.memory_space<vmem>>) attributes {dimension_semantics = [#tpu.dimension_semantics<core_parallel>, #tpu.dimension_semantics<subcore_parallel>], iteration_bounds = array<i64: 2, 16>, scalar_prefetch = 0 : i64, scratch_operands = 2 : i64, tpu.core_type = #tpu.core_type<sc_vector_subcore>, window_params = [{transform_indices = #map}, {transform_indices = #map}]} {
    %mul3A = arith.constant 2 : i32
    %mul3A_0 = arith.muli %arg1, %mul3A : i32
    %add3A = arith.addi %mul3A_0, %arg0 : i32
    %mul3A_1 = arith.constant 2560 : i32
    %mul3A_2 = arith.muli %add3A, %mul3A_1 : i32
    %lt3A = arith.constant 16 : i32
    %lt3A_3 = arith.cmpi slt, %add3A, %lt3A : i32
    %convert_element_type3A = arith.extui %lt3A_3 : i1 to i32
    %cond3A = arith.constant 0 : i32
    %cond3A_4 = arith.cmpi ne, %convert_element_type3A, %cond3A : i32
    scf.if %cond3A_4 {
      "tpu.region"() ({
        %run_scoped3A = tpu.sem_alloc : memref<!tpu.dma_semaphore, #tpu.memory_space<semaphore_mem>>
        %dma_start3A = tpu.memref_slice %arg2[%mul3A_2] : memref<1310720xf32, #tpu.memory_space<hbm>> -> memref<2560xf32, #tpu.memory_space<hbm>>
        %dma_start3A_11 = tpu.memref_slice %arg2[%mul3A_2] : memref<1310720xf32, #tpu.memory_space<hbm>> -> memref<2560xf32, #tpu.memory_space<hbm>>
        tpu.enqueue_dma source(%dma_start3A_11 : memref<2560xf32, #tpu.memory_space<hbm>>) target(%arg4 : memref<2560xf32, #tpu.memory_space<vmem>>) target_semaphore(%run_scoped3A : memref<!tpu.dma_semaphore, #tpu.memory_space<semaphore_mem>>)
        %dma_wait3A = tpu.memref_slice %arg2[%mul3A_2] : memref<1310720xf32, #tpu.memory_space<hbm>> -> memref<2560xf32, #tpu.memory_space<hbm>>
        %dma_wait3A_12 = tpu.memref_slice %arg2[%mul3A_2] : memref<1310720xf32, #tpu.memory_space<hbm>> -> memref<2560xf32, #tpu.memory_space<hbm>>
        tpu.wait_dma2 semaphore(%run_scoped3A : memref<!tpu.dma_semaphore, #tpu.memory_space<semaphore_mem>>) src(%dma_wait3A_12 : memref<2560xf32, #tpu.memory_space<hbm>>) dst(%arg4 : memref<2560xf32, #tpu.memory_space<vmem>>)
        tpu.yield
      }) : () -> ()
      %scan3A = arith.constant 0 : i32
      %scan3A_5 = arith.constant 1 : i32
      %scan3A_6 = arith.constant 31 : i32
      %scan3A_7 = arith.addi %scan3A_5, %scan3A_6 : i32
      %scan3A_8 = arith.constant 1 : i32
      %scan3A_9 = scf.for %scan3A_11 = %scan3A_5 to %scan3A_7 step %scan3A_8 iter_args(%scan3A_12 = %scan3A) -> (i32)  : i32 {
        %mul3A_13 = arith.constant 40960 : i32
        %mul3A_14 = arith.muli %scan3A_11, %mul3A_13 : i32
        %add3A_15 = arith.addi %mul3A_14, %mul3A_2 : i32
        "tpu.region"() ({
          %run_scoped3A = tpu.sem_alloc : memref<!tpu.dma_semaphore, #tpu.memory_space<semaphore_mem>>
          %dma_start3A = tpu.memref_slice %arg2[%add3A_15] : memref<1310720xf32, #tpu.memory_space<hbm>> -> memref<2560xf32, #tpu.memory_space<hbm>>
          %dma_start3A_24 = tpu.memref_slice %arg2[%add3A_15] : memref<1310720xf32, #tpu.memory_space<hbm>> -> memref<2560xf32, #tpu.memory_space<hbm>>
          tpu.enqueue_dma source(%dma_start3A_24 : memref<2560xf32, #tpu.memory_space<hbm>>) target(%arg5 : memref<2560xf32, #tpu.memory_space<vmem>>) target_semaphore(%run_scoped3A : memref<!tpu.dma_semaphore, #tpu.memory_space<semaphore_mem>>)
          %dma_wait3A = tpu.memref_slice %arg2[%add3A_15] : memref<1310720xf32, #tpu.memory_space<hbm>> -> memref<2560xf32, #tpu.memory_space<hbm>>
          %dma_wait3A_25 = tpu.memref_slice %arg2[%add3A_15] : memref<1310720xf32, #tpu.memory_space<hbm>> -> memref<2560xf32, #tpu.memory_space<hbm>>
          tpu.wait_dma2 semaphore(%run_scoped3A : memref<!tpu.dma_semaphore, #tpu.memory_space<semaphore_mem>>) src(%dma_wait3A_25 : memref<2560xf32, #tpu.memory_space<hbm>>) dst(%arg5 : memref<2560xf32, #tpu.memory_space<vmem>>)
          tpu.yield
        }) : () -> ()
        %scan3A_16 = arith.constant 0 : i32
        %scan3A_17 = arith.constant 0 : i32
        %scan3A_18 = arith.constant 160 : i32
        %scan3A_19 = arith.addi %scan3A_17, %scan3A_18 : i32
        %scan3A_20 = arith.constant 1 : i32
        %scan3A_21 = scf.for %scan3A_24 = %scan3A_17 to %scan3A_19 step %scan3A_20 iter_args(%scan3A_25 = %scan3A_16) -> (i32)  : i32 {
          %mul3A_26 = arith.constant 16 : i32
          %mul3A_27 = arith.muli %scan3A_24, %mul3A_26 : i32
          %get3A = arith.index_cast %mul3A_27 : i32 to index
          %get3A_28 = tpu.vector_load %arg4[%get3A] {strides = array<i32>} : memref<2560xf32, #tpu.memory_space<vmem>>, vector<16xf32>,
          %get3A_29 = arith.index_cast %mul3A_27 : i32 to index
          %get3A_30 = tpu.vector_load %arg5[%get3A_29] {strides = array<i32>} : memref<2560xf32, #tpu.memory_space<vmem>>, vector<16xf32>,
          %max3A = arith.maximumf %get3A_28, %get3A_30 : vector<16xf32>
          %swap3A = arith.index_cast %mul3A_27 : i32 to index
          %swap3A_31 = tpu.vector_load %arg4[%swap3A] {strides = array<i32>} : memref<2560xf32, #tpu.memory_space<vmem>>, vector<16xf32>,
          tpu.vector_store %arg4[%swap3A], %max3A {strides = array<i32>} : memref<2560xf32, #tpu.memory_space<vmem>>, vector<16xf32>,
          %scan3A_32 = arith.constant 0 : i32
          scf.yield %scan3A_32 : i32
        }
        %scan3A_22 = arith.constant 160 : i32
        %scan3A_23 = arith.constant 0 : i32
        scf.yield %scan3A_23 : i32
      }
      %scan3A_10 = arith.constant 31 : i32
      "tpu.region"() ({
        %run_scoped3A = tpu.sem_alloc : memref<!tpu.dma_semaphore, #tpu.memory_space<semaphore_mem>>
        %dma_start3A = tpu.memref_slice %arg3[%mul3A_2] : memref<40960xf32, #tpu.memory_space<hbm>> -> memref<2560xf32, #tpu.memory_space<hbm>>
        %dma_start3A_11 = tpu.memref_slice %arg3[%mul3A_2] : memref<40960xf32, #tpu.memory_space<hbm>> -> memref<2560xf32, #tpu.memory_space<hbm>>
        tpu.enqueue_dma source(%arg4 : memref<2560xf32, #tpu.memory_space<vmem>>) target(%dma_start3A_11 : memref<2560xf32, #tpu.memory_space<hbm>>) target_semaphore(%run_scoped3A : memref<!tpu.dma_semaphore, #tpu.memory_space<semaphore_mem>>)
        %dma_wait3A = tpu.memref_slice %arg3[%mul3A_2] : memref<40960xf32, #tpu.memory_space<hbm>> -> memref<2560xf32, #tpu.memory_space<hbm>>
        %dma_wait3A_12 = tpu.memref_slice %arg3[%mul3A_2] : memref<40960xf32, #tpu.memory_space<hbm>> -> memref<2560xf32, #tpu.memory_space<hbm>>
        tpu.wait_dma2 semaphore(%run_scoped3A : memref<!tpu.dma_semaphore, #tpu.memory_space<semaphore_mem>>) src(%arg4 : memref<2560xf32, #tpu.memory_space<vmem>>) dst(%dma_wait3A_12 : memref<2560xf32, #tpu.memory_space<hbm>>)
        tpu.yield
      }) : () -> ()
    } else {
    }
    return
  }
}

#map = affine_map<(d0, d1) -> (0)>
#map1 = affine_map<(d0, d1) -> (0, 0)>
module attributes {stable_mosaic.version = 14 : i64} {
  func.func @_sc_amax_body(%arg0: i32, %arg1: i32, %arg2: memref<331776xi32, #tpu.memory_space<hbm>>, %arg3: memref<331776xi32, #tpu.memory_space<hbm>>, %arg4: memref<331776xf32, #tpu.memory_space<hbm>>, %arg5: memref<10240x8xf32, #tpu.memory_space<hbm>>, %arg6: memref<1310720xf32, #tpu.memory_space<hbm>>, %arg7: memref<40960xf32, #tpu.memory_space<vmem>>, %arg8: memref<128xi32, #tpu.memory_space<vmem>>, %arg9: memref<128xi32, #tpu.memory_space<vmem>>, %arg10: memref<128xf32, #tpu.memory_space<vmem>>, %arg11: memref<128x8xf32, #tpu.memory_space<vmem>>, %arg12: memref<128x8xf32, #tpu.memory_space<vmem>>) attributes {dimension_semantics = [#tpu.dimension_semantics<core_parallel>, #tpu.dimension_semantics<subcore_parallel>], iteration_bounds = array<i64: 2, 16>, scalar_prefetch = 0 : i64, scratch_operands = 6 : i64, tpu.core_type = #tpu.core_type<sc_vector_subcore>, window_params = [{transform_indices = #map}, {transform_indices = #map}, {transform_indices = #map}, {transform_indices = #map1}, {transform_indices = #map}]} {
    %mul3A = arith.constant 2 : i32
    %mul3A_0 = arith.muli %arg1, %mul3A : i32
    %add3A = arith.addi %mul3A_0, %arg0 : i32
    %scan3A = arith.constant 0 : i32
    %scan3A_1 = arith.constant 0 : i32
    %scan3A_2 = arith.constant 2560 : i32
    %scan3A_3 = arith.addi %scan3A_1, %scan3A_2 : i32
    %scan3A_4 = arith.constant 1 : i32
    %scan3A_5 = scf.for %scan3A_18 = %scan3A_1 to %scan3A_3 step %scan3A_4 iter_args(%scan3A_19 = %scan3A) -> (i32)  : i32 {
      %broadcast_in_dim3A = arith.constant -3.400000e+38 : f32
      %broadcast_in_dim3A_20 = vector.broadcast %broadcast_in_dim3A : f32 to vector<16xf32>
      %mul3A_21 = arith.constant 16 : i32
      %mul3A_22 = arith.muli %scan3A_18, %mul3A_21 : i32
      %swap3A = arith.index_cast %mul3A_22 : i32 to index
      %swap3A_23 = tpu.vector_load %arg7[%swap3A] {strides = array<i32>} : memref<40960xf32, #tpu.memory_space<vmem>>, vector<16xf32>,
      tpu.vector_store %arg7[%swap3A], %broadcast_in_dim3A_20 {strides = array<i32>} : memref<40960xf32, #tpu.memory_space<vmem>>, vector<16xf32>,
      %scan3A_24 = arith.constant 0 : i32
      scf.yield %scan3A_24 : i32
    }
    %scan3A_6 = arith.constant 2560 : i32
    %iota3A = tpu.iota {dimensions = array<i32: 0>} : vector<16xi32>
    %mul3A_7 = arith.constant 10368 : i32
    %mul3A_8 = arith.muli %add3A, %mul3A_7 : i32
    %scan3A_9 = arith.constant 0 : i32
    %scan3A_10 = arith.constant 0 : i32
    %scan3A_11 = arith.constant 81 : i32
    %scan3A_12 = arith.addi %scan3A_10, %scan3A_11 : i32
    %scan3A_13 = arith.constant 1 : i32
    %scan3A_14 = scf.for %scan3A_18 = %scan3A_10 to %scan3A_12 step %scan3A_13 iter_args(%scan3A_19 = %scan3A_9) -> (i32)  : i32 {
      %mul3A_20 = arith.constant 128 : i32
      %mul3A_21 = arith.muli %scan3A_18, %mul3A_20 : i32
      %add3A_22 = arith.addi %mul3A_8, %mul3A_21 : i32
      "tpu.region"() ({
        %run_scoped3A = tpu.sem_alloc : memref<!tpu.dma_semaphore, #tpu.memory_space<semaphore_mem>>
        %dma_start3A = tpu.memref_slice %arg2[%add3A_22] : memref<331776xi32, #tpu.memory_space<hbm>> -> memref<128xi32, #tpu.memory_space<hbm>>
        %dma_start3A_31 = tpu.memref_slice %arg2[%add3A_22] : memref<331776xi32, #tpu.memory_space<hbm>> -> memref<128xi32, #tpu.memory_space<hbm>>
        tpu.enqueue_dma source(%dma_start3A_31 : memref<128xi32, #tpu.memory_space<hbm>>) target(%arg8 : memref<128xi32, #tpu.memory_space<vmem>>) target_semaphore(%run_scoped3A : memref<!tpu.dma_semaphore, #tpu.memory_space<semaphore_mem>>)
        %dma_wait3A = tpu.memref_slice %arg2[%add3A_22] : memref<331776xi32, #tpu.memory_space<hbm>> -> memref<128xi32, #tpu.memory_space<hbm>>
        %dma_wait3A_32 = tpu.memref_slice %arg2[%add3A_22] : memref<331776xi32, #tpu.memory_space<hbm>> -> memref<128xi32, #tpu.memory_space<hbm>>
        tpu.wait_dma2 semaphore(%run_scoped3A : memref<!tpu.dma_semaphore, #tpu.memory_space<semaphore_mem>>) src(%dma_wait3A_32 : memref<128xi32, #tpu.memory_space<hbm>>) dst(%arg8 : memref<128xi32, #tpu.memory_space<vmem>>)
        tpu.yield
      }) : () -> ()
      "tpu.region"() ({
        %run_scoped3A = tpu.sem_alloc : memref<!tpu.dma_semaphore, #tpu.memory_space<semaphore_mem>>
        %dma_start3A = tpu.memref_slice %arg3[%add3A_22] : memref<331776xi32, #tpu.memory_space<hbm>> -> memref<128xi32, #tpu.memory_space<hbm>>
        %dma_start3A_31 = tpu.memref_slice %arg3[%add3A_22] : memref<331776xi32, #tpu.memory_space<hbm>> -> memref<128xi32, #tpu.memory_space<hbm>>
        tpu.enqueue_dma source(%dma_start3A_31 : memref<128xi32, #tpu.memory_space<hbm>>) target(%arg9 : memref<128xi32, #tpu.memory_space<vmem>>) target_semaphore(%run_scoped3A : memref<!tpu.dma_semaphore, #tpu.memory_space<semaphore_mem>>)
        %dma_wait3A = tpu.memref_slice %arg3[%add3A_22] : memref<331776xi32, #tpu.memory_space<hbm>> -> memref<128xi32, #tpu.memory_space<hbm>>
        %dma_wait3A_32 = tpu.memref_slice %arg3[%add3A_22] : memref<331776xi32, #tpu.memory_space<hbm>> -> memref<128xi32, #tpu.memory_space<hbm>>
        tpu.wait_dma2 semaphore(%run_scoped3A : memref<!tpu.dma_semaphore, #tpu.memory_space<semaphore_mem>>) src(%dma_wait3A_32 : memref<128xi32, #tpu.memory_space<hbm>>) dst(%arg9 : memref<128xi32, #tpu.memory_space<vmem>>)
        tpu.yield
      }) : () -> ()
      "tpu.region"() ({
        %run_scoped3A = tpu.sem_alloc : memref<!tpu.dma_semaphore, #tpu.memory_space<semaphore_mem>>
        %dma_start3A = tpu.memref_slice %arg4[%add3A_22] : memref<331776xf32, #tpu.memory_space<hbm>> -> memref<128xf32, #tpu.memory_space<hbm>>
        %dma_start3A_31 = tpu.memref_slice %arg4[%add3A_22] : memref<331776xf32, #tpu.memory_space<hbm>> -> memref<128xf32, #tpu.memory_space<hbm>>
        tpu.enqueue_dma source(%dma_start3A_31 : memref<128xf32, #tpu.memory_space<hbm>>) target(%arg10 : memref<128xf32, #tpu.memory_space<vmem>>) target_semaphore(%run_scoped3A : memref<!tpu.dma_semaphore, #tpu.memory_space<semaphore_mem>>)
        %dma_wait3A = tpu.memref_slice %arg4[%add3A_22] : memref<331776xf32, #tpu.memory_space<hbm>> -> memref<128xf32, #tpu.memory_space<hbm>>
        %dma_wait3A_32 = tpu.memref_slice %arg4[%add3A_22] : memref<331776xf32, #tpu.memory_space<hbm>> -> memref<128xf32, #tpu.memory_space<hbm>>
        tpu.wait_dma2 semaphore(%run_scoped3A : memref<!tpu.dma_semaphore, #tpu.memory_space<semaphore_mem>>) src(%dma_wait3A_32 : memref<128xf32, #tpu.memory_space<hbm>>) dst(%arg10 : memref<128xf32, #tpu.memory_space<vmem>>)
        tpu.yield
      }) : () -> ()
      "tpu.region"() ({
        %run_scoped3A = tpu.sem_alloc : memref<!tpu.dma_semaphore, #tpu.memory_space<semaphore_mem>>
        %dma_start3A = arith.constant 0 : i32
        %dma_start3A_31 = arith.constant 0 : i32
        %dma_start3A_32 = tpu.memref_slice %arg5[%dma_start3A, %dma_start3A_31] : memref<10240x8xf32, #tpu.memory_space<hbm>> -> memref<10240x8xf32, #tpu.memory_space<hbm>>
        tpu.enqueue_indirect_dma source(%dma_start3A_32 : memref<10240x8xf32, #tpu.memory_space<hbm>>) target(%arg11 : memref<128x8xf32, #tpu.memory_space<vmem>>) offsets(%arg8 : memref<128xi32, #tpu.memory_space<vmem>>) semaphore(%run_scoped3A : memref<!tpu.dma_semaphore, #tpu.memory_space<semaphore_mem>>)
        %dma_wait3A = arith.constant 0 : i32
        %dma_wait3A_33 = arith.constant 0 : i32
        %dma_wait3A_34 = tpu.memref_slice %arg5[%dma_wait3A, %dma_wait3A_33] : memref<10240x8xf32, #tpu.memory_space<hbm>> -> memref<10240x8xf32, #tpu.memory_space<hbm>>
        tpu.wait_indirect_dma semaphore(%run_scoped3A : memref<!tpu.dma_semaphore, #tpu.memory_space<semaphore_mem>>) src(%dma_wait3A_34 : memref<10240x8xf32, #tpu.memory_space<hbm>>) dst(%arg11 : memref<128x8xf32, #tpu.memory_space<vmem>>)
        tpu.yield
      }) : () -> ()
      "tpu.region"() ({
        %run_scoped3A = tpu.sem_alloc : memref<!tpu.dma_semaphore, #tpu.memory_space<semaphore_mem>>
        %dma_start3A = arith.constant 0 : i32
        %dma_start3A_31 = arith.constant 0 : i32
        %dma_start3A_32 = tpu.memref_slice %arg5[%dma_start3A, %dma_start3A_31] : memref<10240x8xf32, #tpu.memory_space<hbm>> -> memref<10240x8xf32, #tpu.memory_space<hbm>>
        tpu.enqueue_indirect_dma source(%dma_start3A_32 : memref<10240x8xf32, #tpu.memory_space<hbm>>) target(%arg12 : memref<128x8xf32, #tpu.memory_space<vmem>>) offsets(%arg9 : memref<128xi32, #tpu.memory_space<vmem>>) semaphore(%run_scoped3A : memref<!tpu.dma_semaphore, #tpu.memory_space<semaphore_mem>>)
        %dma_wait3A = arith.constant 0 : i32
        %dma_wait3A_33 = arith.constant 0 : i32
        %dma_wait3A_34 = tpu.memref_slice %arg5[%dma_wait3A, %dma_wait3A_33] : memref<10240x8xf32, #tpu.memory_space<hbm>> -> memref<10240x8xf32, #tpu.memory_space<hbm>>
        tpu.wait_indirect_dma semaphore(%run_scoped3A : memref<!tpu.dma_semaphore, #tpu.memory_space<semaphore_mem>>) src(%dma_wait3A_34 : memref<10240x8xf32, #tpu.memory_space<hbm>>) dst(%arg12 : memref<128x8xf32, #tpu.memory_space<vmem>>)
        tpu.yield
      }) : () -> ()
      %scan3A_23 = arith.constant 0 : i32
      %scan3A_24 = arith.constant 0 : i32
      %scan3A_25 = arith.constant 8 : i32
      %scan3A_26 = arith.addi %scan3A_24, %scan3A_25 : i32
      %scan3A_27 = arith.constant 1 : i32
      %scan3A_28 = scf.for %scan3A_31 = %scan3A_24 to %scan3A_26 step %scan3A_27 iter_args(%scan3A_32 = %scan3A_23) -> (i32)  : i32 {
        %mul3A_33 = arith.constant 16 : i32
        %mul3A_34 = arith.muli %scan3A_31, %mul3A_33 : i32
        %get3A = arith.index_cast %mul3A_34 : i32 to index
        %get3A_35 = tpu.vector_load %arg8[%get3A] {strides = array<i32>} : memref<128xi32, #tpu.memory_space<vmem>>, vector<16xi32>,
        %masked_sort3A = arith.constant dense<true> : vector<16xi1>
        %masked_sort3A_36 = arith.constant -2147483648 : i32
        %masked_sort3A_37 = vector.broadcast %masked_sort3A_36 : i32 to vector<16xi32>
        %masked_sort3A_38 = arith.xori %get3A_35, %masked_sort3A_37 : vector<16xi32>
        %masked_sort3A_39, %masked_sort3A_40, %masked_sort3A_41 = tpu.sort %masked_sort3A_38, %iota3A masked %masked_sort3A : (vector<16xi32>, vector<16xi32>, vector<16xi1>) -> (vector<16xi1>, vector<16xi32>, vector<16xi32>)
        %masked_sort3A_42 = arith.xori %masked_sort3A_40, %masked_sort3A_37 : vector<16xi32>
        %mul3A_43 = arith.constant 16 : i32
        %mul3A_44 = arith.muli %scan3A_31, %mul3A_43 : i32
        %add3A_45 = vector.broadcast %mul3A_44 : i32 to vector<16xi32>
        %add3A_46 = arith.addi %masked_sort3A_41, %add3A_45 : vector<16xi32>
        %get3A_47 = arith.index_cast %mul3A_34 : i32 to index
        %get3A_48 = tpu.vector_load %arg10[%get3A_47] {strides = array<i32>} : memref<128xf32, #tpu.memory_space<vmem>>, vector<16xf32>,
        %reshape3A = vector.shape_cast %masked_sort3A_41 : vector<16xi32> to vector<16x1xi32>
        %gather3A = vector.shape_cast %reshape3A : vector<16x1xi32> to vector<16xi32>
        %gather3A_49 = tpu.dynamic_gather %get3A_48[%gather3A] in [0] : vector<16xf32>, vector<16xi32> -> vector<16xf32>
        %abs3A = math.absf %gather3A_49 : vector<16xf32>
        %broadcast_in_dim3A = arith.constant 0 : i32
        %broadcast_in_dim3A_50 = vector.broadcast %broadcast_in_dim3A : i32 to vector<16xi32>
        %gather3A_51 = tpu.vector_load_idx %arg11[%add3A_46, %broadcast_in_dim3A_50] : memref<128x8xf32, #tpu.memory_space<vmem>>[vector<16xi32>, vector<16xi32>], vector<16xf32>,
        %broadcast_in_dim3A_52 = arith.constant 4 : i32
        %broadcast_in_dim3A_53 = vector.broadcast %broadcast_in_dim3A_52 : i32 to vector<16xi32>
        %gather3A_54 = tpu.vector_load_idx %arg12[%add3A_46, %broadcast_in_dim3A_53] : memref<128x8xf32, #tpu.memory_space<vmem>>[vector<16xi32>, vector<16xi32>], vector<16xf32>,
        %add3A_55 = arith.addf %gather3A_51, %gather3A_54 : vector<16xf32>
        %mul3A_56 = arith.mulf %add3A_55, %abs3A : vector<16xf32>
        %ge3A = arith.constant 0.000000e+00 : f32
        %ge3A_57 = vector.broadcast %ge3A : f32 to vector<16xf32>
        %ge3A_58 = arith.cmpf oge, %mul3A_56, %ge3A_57 : vector<16xf32>
        %mul3A_59 = arith.constant 2.000000e-01 : f32
        %mul3A_60 = vector.broadcast %mul3A_59 : f32 to vector<16xf32>
        %mul3A_61 = arith.mulf %mul3A_60, %mul3A_56 : vector<16xf32>
        %select_n3A = arith.select %ge3A_58, %mul3A_56, %mul3A_61 : vector<16xi1>, vector<16xf32>
        %mul3A_62 = arith.constant 1.000000e+02 : f32
        %mul3A_63 = vector.broadcast %mul3A_62 : f32 to vector<16xf32>
        %mul3A_64 = arith.mulf %select_n3A, %mul3A_63 : vector<16xf32>
        %broadcast_in_dim3A_65 = arith.constant 1 : i32
        %broadcast_in_dim3A_66 = vector.broadcast %broadcast_in_dim3A_65 : i32 to vector<16xi32>
        %gather3A_67 = tpu.vector_load_idx %arg11[%add3A_46, %broadcast_in_dim3A_66] : memref<128x8xf32, #tpu.memory_space<vmem>>[vector<16xi32>, vector<16xi32>], vector<16xf32>,
        %broadcast_in_dim3A_68 = arith.constant 5 : i32
        %broadcast_in_dim3A_69 = vector.broadcast %broadcast_in_dim3A_68 : i32 to vector<16xi32>
        %gather3A_70 = tpu.vector_load_idx %arg12[%add3A_46, %broadcast_in_dim3A_69] : memref<128x8xf32, #tpu.memory_space<vmem>>[vector<16xi32>, vector<16xi32>], vector<16xf32>,
        %add3A_71 = arith.addf %gather3A_67, %gather3A_70 : vector<16xf32>
        %mul3A_72 = arith.mulf %add3A_71, %abs3A : vector<16xf32>
        %ge3A_73 = arith.constant 0.000000e+00 : f32
        %ge3A_74 = vector.broadcast %ge3A_73 : f32 to vector<16xf32>
        %ge3A_75 = arith.cmpf oge, %mul3A_72, %ge3A_74 : vector<16xf32>
        %mul3A_76 = arith.constant 2.000000e-01 : f32
        %mul3A_77 = vector.broadcast %mul3A_76 : f32 to vector<16xf32>
        %mul3A_78 = arith.mulf %mul3A_77, %mul3A_72 : vector<16xf32>
        %select_n3A_79 = arith.select %ge3A_75, %mul3A_72, %mul3A_78 : vector<16xi1>, vector<16xf32>
        %mul3A_80 = arith.constant 1.000000e+02 : f32
        %mul3A_81 = vector.broadcast %mul3A_80 : f32 to vector<16xf32>
        %mul3A_82 = arith.mulf %select_n3A_79, %mul3A_81 : vector<16xf32>
        %broadcast_in_dim3A_83 = arith.constant 2 : i32
        %broadcast_in_dim3A_84 = vector.broadcast %broadcast_in_dim3A_83 : i32 to vector<16xi32>
        %gather3A_85 = tpu.vector_load_idx %arg11[%add3A_46, %broadcast_in_dim3A_84] : memref<128x8xf32, #tpu.memory_space<vmem>>[vector<16xi32>, vector<16xi32>], vector<16xf32>,
        %broadcast_in_dim3A_86 = arith.constant 6 : i32
        %broadcast_in_dim3A_87 = vector.broadcast %broadcast_in_dim3A_86 : i32 to vector<16xi32>
        %gather3A_88 = tpu.vector_load_idx %arg12[%add3A_46, %broadcast_in_dim3A_87] : memref<128x8xf32, #tpu.memory_space<vmem>>[vector<16xi32>, vector<16xi32>], vector<16xf32>,
        %add3A_89 = arith.addf %gather3A_85, %gather3A_88 : vector<16xf32>
        %mul3A_90 = arith.mulf %add3A_89, %abs3A : vector<16xf32>
        %ge3A_91 = arith.constant 0.000000e+00 : f32
        %ge3A_92 = vector.broadcast %ge3A_91 : f32 to vector<16xf32>
        %ge3A_93 = arith.cmpf oge, %mul3A_90, %ge3A_92 : vector<16xf32>
        %mul3A_94 = arith.constant 2.000000e-01 : f32
        %mul3A_95 = vector.broadcast %mul3A_94 : f32 to vector<16xf32>
        %mul3A_96 = arith.mulf %mul3A_95, %mul3A_90 : vector<16xf32>
        %select_n3A_97 = arith.select %ge3A_93, %mul3A_90, %mul3A_96 : vector<16xi1>, vector<16xf32>
        %mul3A_98 = arith.constant 1.000000e+02 : f32
        %mul3A_99 = vector.broadcast %mul3A_98 : f32 to vector<16xf32>
        %mul3A_100 = arith.mulf %select_n3A_97, %mul3A_99 : vector<16xf32>
        %broadcast_in_dim3A_101 = arith.constant 3 : i32
        %broadcast_in_dim3A_102 = vector.broadcast %broadcast_in_dim3A_101 : i32 to vector<16xi32>
        %gather3A_103 = tpu.vector_load_idx %arg11[%add3A_46, %broadcast_in_dim3A_102] : memref<128x8xf32, #tpu.memory_space<vmem>>[vector<16xi32>, vector<16xi32>], vector<16xf32>,
        %broadcast_in_dim3A_104 = arith.constant 7 : i32
        %broadcast_in_dim3A_105 = vector.broadcast %broadcast_in_dim3A_104 : i32 to vector<16xi32>
        %gather3A_106 = tpu.vector_load_idx %arg12[%add3A_46, %broadcast_in_dim3A_105] : memref<128x8xf32, #tpu.memory_space<vmem>>[vector<16xi32>, vector<16xi32>], vector<16xf32>,
        %add3A_107 = arith.addf %gather3A_103, %gather3A_106 : vector<16xf32>
        %mul3A_108 = arith.mulf %add3A_107, %abs3A : vector<16xf32>
        %ge3A_109 = arith.constant 0.000000e+00 : f32
        %ge3A_110 = vector.broadcast %ge3A_109 : f32 to vector<16xf32>
        %ge3A_111 = arith.cmpf oge, %mul3A_108, %ge3A_110 : vector<16xf32>
        %mul3A_112 = arith.constant 2.000000e-01 : f32
        %mul3A_113 = vector.broadcast %mul3A_112 : f32 to vector<16xf32>
        %mul3A_114 = arith.mulf %mul3A_113, %mul3A_108 : vector<16xf32>
        %select_n3A_115 = arith.select %ge3A_111, %mul3A_108, %mul3A_114 : vector<16xi1>, vector<16xf32>
        %mul3A_116 = arith.constant 1.000000e+02 : f32
        %mul3A_117 = vector.broadcast %mul3A_116 : f32 to vector<16xf32>
        %mul3A_118 = arith.mulf %select_n3A_115, %mul3A_117 : vector<16xf32>
        %sub3A = arith.constant 1 : i32
        %sub3A_119 = vector.broadcast %sub3A : i32 to vector<16xi32>
        %sub3A_120 = arith.subi %iota3A, %sub3A_119 : vector<16xi32>
        %max3A = arith.constant 0 : i32
        %max3A_121 = vector.broadcast %max3A : i32 to vector<16xi32>
        %max3A_122 = arith.maxsi %sub3A_120, %max3A_121 : vector<16xi32>
        %reshape3A_123 = vector.shape_cast %max3A_122 : vector<16xi32> to vector<16x1xi32>
        %gather3A_124 = vector.shape_cast %reshape3A_123 : vector<16x1xi32> to vector<16xi32>
        %gather3A_125 = tpu.dynamic_gather %masked_sort3A_42[%gather3A_124] in [0] : vector<16xi32>, vector<16xi32> -> vector<16xi32>
        %eq3A = arith.cmpi eq, %gather3A_125, %masked_sort3A_42 : vector<16xi32>
        %reshape3A_126 = vector.shape_cast %max3A_122 : vector<16xi32> to vector<16x1xi32>
        %gather3A_127 = vector.shape_cast %reshape3A_126 : vector<16x1xi32> to vector<16xi32>
        %gather3A_128 = tpu.dynamic_gather %mul3A_64[%gather3A_127] in [0] : vector<16xf32>, vector<16xi32> -> vector<16xf32>
        %max3A_129 = arith.maximumf %mul3A_64, %gather3A_128 : vector<16xf32>
        %select_n3A_130 = arith.select %eq3A, %max3A_129, %mul3A_64 : vector<16xi1>, vector<16xf32>
        %reshape3A_131 = vector.shape_cast %max3A_122 : vector<16xi32> to vector<16x1xi32>
        %gather3A_132 = vector.shape_cast %reshape3A_131 : vector<16x1xi32> to vector<16xi32>
        %gather3A_133 = tpu.dynamic_gather %mul3A_82[%gather3A_132] in [0] : vector<16xf32>, vector<16xi32> -> vector<16xf32>
        %max3A_134 = arith.maximumf %mul3A_82, %gather3A_133 : vector<16xf32>
        %select_n3A_135 = arith.select %eq3A, %max3A_134, %mul3A_82 : vector<16xi1>, vector<16xf32>
        %reshape3A_136 = vector.shape_cast %max3A_122 : vector<16xi32> to vector<16x1xi32>
        %gather3A_137 = vector.shape_cast %reshape3A_136 : vector<16x1xi32> to vector<16xi32>
        %gather3A_138 = tpu.dynamic_gather %mul3A_100[%gather3A_137] in [0] : vector<16xf32>, vector<16xi32> -> vector<16xf32>
        %max3A_139 = arith.maximumf %mul3A_100, %gather3A_138 : vector<16xf32>
        %select_n3A_140 = arith.select %eq3A, %max3A_139, %mul3A_100 : vector<16xi1>, vector<16xf32>
        %reshape3A_141 = vector.shape_cast %max3A_122 : vector<16xi32> to vector<16x1xi32>
        %gather3A_142 = vector.shape_cast %reshape3A_141 : vector<16x1xi32> to vector<16xi32>
        %gather3A_143 = tpu.dynamic_gather %mul3A_118[%gather3A_142] in [0] : vector<16xf32>, vector<16xi32> -> vector<16xf32>
        %max3A_144 = arith.maximumf %mul3A_118, %gather3A_143 : vector<16xf32>
        %select_n3A_145 = arith.select %eq3A, %max3A_144, %mul3A_118 : vector<16xi1>, vector<16xf32>
        %sub3A_146 = arith.constant 2 : i32
        %sub3A_147 = vector.broadcast %sub3A_146 : i32 to vector<16xi32>
        %sub3A_148 = arith.subi %iota3A, %sub3A_147 : vector<16xi32>
        %max3A_149 = arith.constant 0 : i32
        %max3A_150 = vector.broadcast %max3A_149 : i32 to vector<16xi32>
        %max3A_151 = arith.maxsi %sub3A_148, %max3A_150 : vector<16xi32>
        %reshape3A_152 = vector.shape_cast %max3A_151 : vector<16xi32> to vector<16x1xi32>
        %gather3A_153 = vector.shape_cast %reshape3A_152 : vector<16x1xi32> to vector<16xi32>
        %gather3A_154 = tpu.dynamic_gather %masked_sort3A_42[%gather3A_153] in [0] : vector<16xi32>, vector<16xi32> -> vector<16xi32>
        %eq3A_155 = arith.cmpi eq, %gather3A_154, %masked_sort3A_42 : vector<16xi32>
        %reshape3A_156 = vector.shape_cast %max3A_151 : vector<16xi32> to vector<16x1xi32>
        %gather3A_157 = vector.shape_cast %reshape3A_156 : vector<16x1xi32> to vector<16xi32>
        %gather3A_158 = tpu.dynamic_gather %select_n3A_130[%gather3A_157] in [0] : vector<16xf32>, vector<16xi32> -> vector<16xf32>
        %max3A_159 = arith.maximumf %select_n3A_130, %gather3A_158 : vector<16xf32>
        %select_n3A_160 = arith.select %eq3A_155, %max3A_159, %select_n3A_130 : vector<16xi1>, vector<16xf32>
        %reshape3A_161 = vector.shape_cast %max3A_151 : vector<16xi32> to vector<16x1xi32>
        %gather3A_162 = vector.shape_cast %reshape3A_161 : vector<16x1xi32> to vector<16xi32>
        %gather3A_163 = tpu.dynamic_gather %select_n3A_135[%gather3A_162] in [0] : vector<16xf32>, vector<16xi32> -> vector<16xf32>
        %max3A_164 = arith.maximumf %select_n3A_135, %gather3A_163 : vector<16xf32>
        %select_n3A_165 = arith.select %eq3A_155, %max3A_164, %select_n3A_135 : vector<16xi1>, vector<16xf32>
        %reshape3A_166 = vector.shape_cast %max3A_151 : vector<16xi32> to vector<16x1xi32>
        %gather3A_167 = vector.shape_cast %reshape3A_166 : vector<16x1xi32> to vector<16xi32>
        %gather3A_168 = tpu.dynamic_gather %select_n3A_140[%gather3A_167] in [0] : vector<16xf32>, vector<16xi32> -> vector<16xf32>
        %max3A_169 = arith.maximumf %select_n3A_140, %gather3A_168 : vector<16xf32>
        %select_n3A_170 = arith.select %eq3A_155, %max3A_169, %select_n3A_140 : vector<16xi1>, vector<16xf32>
        %reshape3A_171 = vector.shape_cast %max3A_151 : vector<16xi32> to vector<16x1xi32>
        %gather3A_172 = vector.shape_cast %reshape3A_171 : vector<16x1xi32> to vector<16xi32>
        %gather3A_173 = tpu.dynamic_gather %select_n3A_145[%gather3A_172] in [0] : vector<16xf32>, vector<16xi32> -> vector<16xf32>
        %max3A_174 = arith.maximumf %select_n3A_145, %gather3A_173 : vector<16xf32>
        %select_n3A_175 = arith.select %eq3A_155, %max3A_174, %select_n3A_145 : vector<16xi1>, vector<16xf32>
        %sub3A_176 = arith.constant 4 : i32
        %sub3A_177 = vector.broadcast %sub3A_176 : i32 to vector<16xi32>
        %sub3A_178 = arith.subi %iota3A, %sub3A_177 : vector<16xi32>
        %max3A_179 = arith.constant 0 : i32
        %max3A_180 = vector.broadcast %max3A_179 : i32 to vector<16xi32>
        %max3A_181 = arith.maxsi %sub3A_178, %max3A_180 : vector<16xi32>
        %reshape3A_182 = vector.shape_cast %max3A_181 : vector<16xi32> to vector<16x1xi32>
        %gather3A_183 = vector.shape_cast %reshape3A_182 : vector<16x1xi32> to vector<16xi32>
        %gather3A_184 = tpu.dynamic_gather %masked_sort3A_42[%gather3A_183] in [0] : vector<16xi32>, vector<16xi32> -> vector<16xi32>
        %eq3A_185 = arith.cmpi eq, %gather3A_184, %masked_sort3A_42 : vector<16xi32>
        %reshape3A_186 = vector.shape_cast %max3A_181 : vector<16xi32> to vector<16x1xi32>
        %gather3A_187 = vector.shape_cast %reshape3A_186 : vector<16x1xi32> to vector<16xi32>
        %gather3A_188 = tpu.dynamic_gather %select_n3A_160[%gather3A_187] in [0] : vector<16xf32>, vector<16xi32> -> vector<16xf32>
        %max3A_189 = arith.maximumf %select_n3A_160, %gather3A_188 : vector<16xf32>
        %select_n3A_190 = arith.select %eq3A_185, %max3A_189, %select_n3A_160 : vector<16xi1>, vector<16xf32>
        %reshape3A_191 = vector.shape_cast %max3A_181 : vector<16xi32> to vector<16x1xi32>
        %gather3A_192 = vector.shape_cast %reshape3A_191 : vector<16x1xi32> to vector<16xi32>
        %gather3A_193 = tpu.dynamic_gather %select_n3A_165[%gather3A_192] in [0] : vector<16xf32>, vector<16xi32> -> vector<16xf32>
        %max3A_194 = arith.maximumf %select_n3A_165, %gather3A_193 : vector<16xf32>
        %select_n3A_195 = arith.select %eq3A_185, %max3A_194, %select_n3A_165 : vector<16xi1>, vector<16xf32>
        %reshape3A_196 = vector.shape_cast %max3A_181 : vector<16xi32> to vector<16x1xi32>
        %gather3A_197 = vector.shape_cast %reshape3A_196 : vector<16x1xi32> to vector<16xi32>
        %gather3A_198 = tpu.dynamic_gather %select_n3A_170[%gather3A_197] in [0] : vector<16xf32>, vector<16xi32> -> vector<16xf32>
        %max3A_199 = arith.maximumf %select_n3A_170, %gather3A_198 : vector<16xf32>
        %select_n3A_200 = arith.select %eq3A_185, %max3A_199, %select_n3A_170 : vector<16xi1>, vector<16xf32>
        %reshape3A_201 = vector.shape_cast %max3A_181 : vector<16xi32> to vector<16x1xi32>
        %gather3A_202 = vector.shape_cast %reshape3A_201 : vector<16x1xi32> to vector<16xi32>
        %gather3A_203 = tpu.dynamic_gather %select_n3A_175[%gather3A_202] in [0] : vector<16xf32>, vector<16xi32> -> vector<16xf32>
        %max3A_204 = arith.maximumf %select_n3A_175, %gather3A_203 : vector<16xf32>
        %select_n3A_205 = arith.select %eq3A_185, %max3A_204, %select_n3A_175 : vector<16xi1>, vector<16xf32>
        %sub3A_206 = arith.constant 8 : i32
        %sub3A_207 = vector.broadcast %sub3A_206 : i32 to vector<16xi32>
        %sub3A_208 = arith.subi %iota3A, %sub3A_207 : vector<16xi32>
        %max3A_209 = arith.constant 0 : i32
        %max3A_210 = vector.broadcast %max3A_209 : i32 to vector<16xi32>
        %max3A_211 = arith.maxsi %sub3A_208, %max3A_210 : vector<16xi32>
        %reshape3A_212 = vector.shape_cast %max3A_211 : vector<16xi32> to vector<16x1xi32>
        %gather3A_213 = vector.shape_cast %reshape3A_212 : vector<16x1xi32> to vector<16xi32>
        %gather3A_214 = tpu.dynamic_gather %masked_sort3A_42[%gather3A_213] in [0] : vector<16xi32>, vector<16xi32> -> vector<16xi32>
        %eq3A_215 = arith.cmpi eq, %gather3A_214, %masked_sort3A_42 : vector<16xi32>
        %reshape3A_216 = vector.shape_cast %max3A_211 : vector<16xi32> to vector<16x1xi32>
        %gather3A_217 = vector.shape_cast %reshape3A_216 : vector<16x1xi32> to vector<16xi32>
        %gather3A_218 = tpu.dynamic_gather %select_n3A_190[%gather3A_217] in [0] : vector<16xf32>, vector<16xi32> -> vector<16xf32>
        %max3A_219 = arith.maximumf %select_n3A_190, %gather3A_218 : vector<16xf32>
        %select_n3A_220 = arith.select %eq3A_215, %max3A_219, %select_n3A_190 : vector<16xi1>, vector<16xf32>
        %reshape3A_221 = vector.shape_cast %max3A_211 : vector<16xi32> to vector<16x1xi32>
        %gather3A_222 = vector.shape_cast %reshape3A_221 : vector<16x1xi32> to vector<16xi32>
        %gather3A_223 = tpu.dynamic_gather %select_n3A_195[%gather3A_222] in [0] : vector<16xf32>, vector<16xi32> -> vector<16xf32>
        %max3A_224 = arith.maximumf %select_n3A_195, %gather3A_223 : vector<16xf32>
        %select_n3A_225 = arith.select %eq3A_215, %max3A_224, %select_n3A_195 : vector<16xi1>, vector<16xf32>
        %reshape3A_226 = vector.shape_cast %max3A_211 : vector<16xi32> to vector<16x1xi32>
        %gather3A_227 = vector.shape_cast %reshape3A_226 : vector<16x1xi32> to vector<16xi32>
        %gather3A_228 = tpu.dynamic_gather %select_n3A_200[%gather3A_227] in [0] : vector<16xf32>, vector<16xi32> -> vector<16xf32>
        %max3A_229 = arith.maximumf %select_n3A_200, %gather3A_228 : vector<16xf32>
        %select_n3A_230 = arith.select %eq3A_215, %max3A_229, %select_n3A_200 : vector<16xi1>, vector<16xf32>
        %reshape3A_231 = vector.shape_cast %max3A_211 : vector<16xi32> to vector<16x1xi32>
        %gather3A_232 = vector.shape_cast %reshape3A_231 : vector<16x1xi32> to vector<16xi32>
        %gather3A_233 = tpu.dynamic_gather %select_n3A_205[%gather3A_232] in [0] : vector<16xf32>, vector<16xi32> -> vector<16xf32>
        %max3A_234 = arith.maximumf %select_n3A_205, %gather3A_233 : vector<16xf32>
        %select_n3A_235 = arith.select %eq3A_215, %max3A_234, %select_n3A_205 : vector<16xi1>, vector<16xf32>
        %add3A_236 = arith.constant 1 : i32
        %add3A_237 = vector.broadcast %add3A_236 : i32 to vector<16xi32>
        %add3A_238 = arith.addi %iota3A, %add3A_237 : vector<16xi32>
        %min3A = arith.constant 15 : i32
        %min3A_239 = vector.broadcast %min3A : i32 to vector<16xi32>
        %min3A_240 = arith.minsi %add3A_238, %min3A_239 : vector<16xi32>
        %reshape3A_241 = vector.shape_cast %min3A_240 : vector<16xi32> to vector<16x1xi32>
        %gather3A_242 = vector.shape_cast %reshape3A_241 : vector<16x1xi32> to vector<16xi32>
        %gather3A_243 = tpu.dynamic_gather %masked_sort3A_42[%gather3A_242] in [0] : vector<16xi32>, vector<16xi32> -> vector<16xi32>
        %ne3A = arith.cmpi ne, %masked_sort3A_42, %gather3A_243 : vector<16xi32>
        %eq3A_244 = arith.constant 15 : i32
        %eq3A_245 = vector.broadcast %eq3A_244 : i32 to vector<16xi32>
        %eq3A_246 = arith.cmpi eq, %iota3A, %eq3A_245 : vector<16xi32>
        %or3A = arith.ori %ne3A, %eq3A_246 : vector<16xi1>
        %mul3A_247 = arith.constant 4 : i32
        %mul3A_248 = vector.broadcast %mul3A_247 : i32 to vector<16xi32>
        %mul3A_249 = arith.muli %masked_sort3A_42, %mul3A_248 : vector<16xi32>
        %add3A_250 = arith.constant 0 : i32
        %add3A_251 = vector.broadcast %add3A_250 : i32 to vector<16xi32>
        %add3A_252 = arith.addi %mul3A_249, %add3A_251 : vector<16xi32>
        %gather3A_253 = tpu.vector_load_idx %arg7[%add3A_252] masked %or3A : memref<40960xf32, #tpu.memory_space<vmem>>[vector<16xi32>], vector<16xf32>, vector<16xi1>
        %add3A_254 = arith.constant 0 : i32
        %add3A_255 = vector.broadcast %add3A_254 : i32 to vector<16xi32>
        %add3A_256 = arith.addi %mul3A_249, %add3A_255 : vector<16xi32>
        %max3A_257 = arith.maximumf %gather3A_253, %select_n3A_220 : vector<16xf32>
        tpu.vector_store_idx %arg7[%add3A_256], %max3A_257 masked %or3A : memref<40960xf32, #tpu.memory_space<vmem>>[vector<16xi32>], vector<16xf32>, vector<16xi1>
        %add3A_258 = arith.constant 1 : i32
        %add3A_259 = vector.broadcast %add3A_258 : i32 to vector<16xi32>
        %add3A_260 = arith.addi %mul3A_249, %add3A_259 : vector<16xi32>
        %gather3A_261 = tpu.vector_load_idx %arg7[%add3A_260] masked %or3A : memref<40960xf32, #tpu.memory_space<vmem>>[vector<16xi32>], vector<16xf32>, vector<16xi1>
        %add3A_262 = arith.constant 1 : i32
        %add3A_263 = vector.broadcast %add3A_262 : i32 to vector<16xi32>
        %add3A_264 = arith.addi %mul3A_249, %add3A_263 : vector<16xi32>
        %max3A_265 = arith.maximumf %gather3A_261, %select_n3A_225 : vector<16xf32>
        tpu.vector_store_idx %arg7[%add3A_264], %max3A_265 masked %or3A : memref<40960xf32, #tpu.memory_space<vmem>>[vector<16xi32>], vector<16xf32>, vector<16xi1>
        %add3A_266 = arith.constant 2 : i32
        %add3A_267 = vector.broadcast %add3A_266 : i32 to vector<16xi32>
        %add3A_268 = arith.addi %mul3A_249, %add3A_267 : vector<16xi32>
        %gather3A_269 = tpu.vector_load_idx %arg7[%add3A_268] masked %or3A : memref<40960xf32, #tpu.memory_space<vmem>>[vector<16xi32>], vector<16xf32>, vector<16xi1>
        %add3A_270 = arith.constant 2 : i32
        %add3A_271 = vector.broadcast %add3A_270 : i32 to vector<16xi32>
        %add3A_272 = arith.addi %mul3A_249, %add3A_271 : vector<16xi32>
        %max3A_273 = arith.maximumf %gather3A_269, %select_n3A_230 : vector<16xf32>
        tpu.vector_store_idx %arg7[%add3A_272], %max3A_273 masked %or3A : memref<40960xf32, #tpu.memory_space<vmem>>[vector<16xi32>], vector<16xf32>, vector<16xi1>
        %add3A_274 = arith.constant 3 : i32
        %add3A_275 = vector.broadcast %add3A_274 : i32 to vector<16xi32>
        %add3A_276 = arith.addi %mul3A_249, %add3A_275 : vector<16xi32>
        %gather3A_277 = tpu.vector_load_idx %arg7[%add3A_276] masked %or3A : memref<40960xf32, #tpu.memory_space<vmem>>[vector<16xi32>], vector<16xf32>, vector<16xi1>
        %add3A_278 = arith.constant 3 : i32
        %add3A_279 = vector.broadcast %add3A_278 : i32 to vector<16xi32>
        %add3A_280 = arith.addi %mul3A_249, %add3A_279 : vector<16xi32>
        %max3A_281 = arith.maximumf %gather3A_277, %select_n3A_235 : vector<16xf32>
        tpu.vector_store_idx %arg7[%add3A_280], %max3A_281 masked %or3A : memref<40960xf32, #tpu.memory_space<vmem>>[vector<16xi32>], vector<16xf32>, vector<16xi1>
        %scan3A_282 = arith.constant 0 : i32
        scf.yield %scan3A_282 : i32
      }
      %scan3A_29 = arith.constant 8 : i32
      %scan3A_30 = arith.constant 0 : i32
      scf.yield %scan3A_30 : i32
    }
    %scan3A_15 = arith.constant 81 : i32
    %mul3A_16 = arith.constant 40960 : i32
    %mul3A_17 = arith.muli %add3A, %mul3A_16 : i32
    "tpu.region"() ({
      %run_scoped3A = tpu.sem_alloc : memref<!tpu.dma_semaphore, #tpu.memory_space<semaphore_mem>>
      %dma_start3A = tpu.memref_slice %arg6[%mul3A_17] : memref<1310720xf32, #tpu.memory_space<hbm>> -> memref<40960xf32, #tpu.memory_space<hbm>>
      %dma_start3A_18 = tpu.memref_slice %arg6[%mul3A_17] : memref<1310720xf32, #tpu.memory_space<hbm>> -> memref<40960xf32, #tpu.memory_space<hbm>>
      tpu.enqueue_dma source(%arg7 : memref<40960xf32, #tpu.memory_space<vmem>>) target(%dma_start3A_18 : memref<40960xf32, #tpu.memory_space<hbm>>) target_semaphore(%run_scoped3A : memref<!tpu.dma_semaphore, #tpu.memory_space<semaphore_mem>>)
      %dma_wait3A = tpu.memref_slice %arg6[%mul3A_17] : memref<1310720xf32, #tpu.memory_space<hbm>> -> memref<40960xf32, #tpu.memory_space<hbm>>
      %dma_wait3A_19 = tpu.memref_slice %arg6[%mul3A_17] : memref<1310720xf32, #tpu.memory_space<hbm>> -> memref<40960xf32, #tpu.memory_space<hbm>>
      tpu.wait_dma2 semaphore(%run_scoped3A : memref<!tpu.dma_semaphore, #tpu.memory_space<semaphore_mem>>) src(%arg7 : memref<40960xf32, #tpu.memory_space<vmem>>) dst(%dma_wait3A_19 : memref<40960xf32, #tpu.memory_space<hbm>>)
      tpu.yield
    }) : () -> ()
    return
  }
}

#map = affine_map<(d0, d1) -> (0)>
#map1 = affine_map<(d0, d1) -> (0, 0)>
#map2 = affine_map<(d0, d1) -> (0, 0, 0)>
module attributes {stable_mosaic.version = 14 : i64} {
  func.func @_sc_ex_body(%arg0: i32, %arg1: i32, %arg2: memref<331776xi32, #tpu.memory_space<hbm>>, %arg3: memref<331776xi32, #tpu.memory_space<hbm>>, %arg4: memref<331776xf32, #tpu.memory_space<hbm>>, %arg5: memref<10240x8xf32, #tpu.memory_space<hbm>>, %arg6: memref<10240x4xf32, #tpu.memory_space<hbm>>, %arg7: memref<10240x4xf32, #tpu.memory_space<hbm>>, %arg8: memref<331776x4xf32, #tpu.memory_space<hbm>>, %arg9: memref<2x10240x4xf32, #tpu.memory_space<hbm>>, %arg10: memref<128xi32, #tpu.memory_space<vmem>>, %arg11: memref<128xi32, #tpu.memory_space<vmem>>, %arg12: memref<128xf32, #tpu.memory_space<vmem>>, %arg13: memref<128x8xf32, #tpu.memory_space<vmem>>, %arg14: memref<128x8xf32, #tpu.memory_space<vmem>>, %arg15: memref<128x4xf32, #tpu.memory_space<vmem>>, %arg16: memref<128x4xf32, #tpu.memory_space<vmem>>, %arg17: memref<10240x4xf32, #tpu.memory_space<vmem_shared>>) attributes {dimension_semantics = [#tpu.dimension_semantics<core_parallel>, #tpu.dimension_semantics<subcore_parallel>], iteration_bounds = array<i64: 2, 16>, scalar_prefetch = 0 : i64, scratch_operands = 8 : i64, tpu.core_type = #tpu.core_type<sc_vector_subcore>, window_params = [{transform_indices = #map}, {transform_indices = #map}, {transform_indices = #map}, {transform_indices = #map1}, {transform_indices = #map1}, {transform_indices = #map1}, {transform_indices = #map1}, {transform_indices = #map2}]} {
    %mul3A = arith.constant 2 : i32
    %mul3A_0 = arith.muli %arg1, %mul3A : i32
    %add3A = arith.addi %mul3A_0, %arg0 : i32
    %mul3A_1 = arith.constant 640 : i32
    %mul3A_2 = arith.muli %arg1, %mul3A_1 : i32
    %mul3A_3 = arith.constant 640 : i32
    %mul3A_4 = arith.muli %arg1, %mul3A_3 : i32
    "tpu.region"() ({
      %run_scoped3A = tpu.sem_alloc : memref<!tpu.dma_semaphore, #tpu.memory_space<semaphore_mem>>
      %dma_start3A = arith.constant 0 : i32
      %dma_start3A_16 = tpu.memref_slice %arg17[%mul3A_4, %dma_start3A] : memref<10240x4xf32, #tpu.memory_space<vmem_shared>> -> memref<640x4xf32, #tpu.memory_space<vmem_shared>>
      %dma_start3A_17 = arith.constant 0 : i32
      %dma_start3A_18 = tpu.memref_slice %arg7[%mul3A_2, %dma_start3A_17] : memref<10240x4xf32, #tpu.memory_space<hbm>> -> memref<640x4xf32, #tpu.memory_space<hbm>>
      tpu.enqueue_dma source(%dma_start3A_18 : memref<640x4xf32, #tpu.memory_space<hbm>>) target(%dma_start3A_16 : memref<640x4xf32, #tpu.memory_space<vmem_shared>>) target_semaphore(%run_scoped3A : memref<!tpu.dma_semaphore, #tpu.memory_space<semaphore_mem>>)
      %dma_wait3A = arith.constant 0 : i32
      %dma_wait3A_19 = tpu.memref_slice %arg17[%mul3A_4, %dma_wait3A] : memref<10240x4xf32, #tpu.memory_space<vmem_shared>> -> memref<640x4xf32, #tpu.memory_space<vmem_shared>>
      %dma_wait3A_20 = arith.constant 0 : i32
      %dma_wait3A_21 = tpu.memref_slice %arg7[%mul3A_2, %dma_wait3A_20] : memref<10240x4xf32, #tpu.memory_space<hbm>> -> memref<640x4xf32, #tpu.memory_space<hbm>>
      tpu.wait_dma2 semaphore(%run_scoped3A : memref<!tpu.dma_semaphore, #tpu.memory_space<semaphore_mem>>) src(%dma_wait3A_21 : memref<640x4xf32, #tpu.memory_space<hbm>>) dst(%dma_wait3A_19 : memref<640x4xf32, #tpu.memory_space<vmem_shared>>)
      tpu.yield
    }) : () -> ()
    %barrier3A = arith.constant 0 : index
    tpu.barrier barrier_id(%barrier3A)
    %iota3A = tpu.iota {dimensions = array<i32: 0>} : vector<16xi32>
    %mul3A_5 = arith.constant 10368 : i32
    %mul3A_6 = arith.muli %add3A, %mul3A_5 : i32
    %scan3A = arith.constant 0 : i32
    %scan3A_7 = arith.constant 0 : i32
    %scan3A_8 = arith.constant 81 : i32
    %scan3A_9 = arith.addi %scan3A_7, %scan3A_8 : i32
    %scan3A_10 = arith.constant 1 : i32
    %scan3A_11 = scf.for %scan3A_16 = %scan3A_7 to %scan3A_9 step %scan3A_10 iter_args(%scan3A_17 = %scan3A) -> (i32)  : i32 {
      %mul3A_18 = arith.constant 128 : i32
      %mul3A_19 = arith.muli %scan3A_16, %mul3A_18 : i32
      %add3A_20 = arith.addi %mul3A_6, %mul3A_19 : i32
      "tpu.region"() ({
        %run_scoped3A = tpu.sem_alloc : memref<!tpu.dma_semaphore, #tpu.memory_space<semaphore_mem>>
        %dma_start3A = tpu.memref_slice %arg2[%add3A_20] : memref<331776xi32, #tpu.memory_space<hbm>> -> memref<128xi32, #tpu.memory_space<hbm>>
        %dma_start3A_29 = tpu.memref_slice %arg2[%add3A_20] : memref<331776xi32, #tpu.memory_space<hbm>> -> memref<128xi32, #tpu.memory_space<hbm>>
        tpu.enqueue_dma source(%dma_start3A_29 : memref<128xi32, #tpu.memory_space<hbm>>) target(%arg10 : memref<128xi32, #tpu.memory_space<vmem>>) target_semaphore(%run_scoped3A : memref<!tpu.dma_semaphore, #tpu.memory_space<semaphore_mem>>)
        %dma_wait3A = tpu.memref_slice %arg2[%add3A_20] : memref<331776xi32, #tpu.memory_space<hbm>> -> memref<128xi32, #tpu.memory_space<hbm>>
        %dma_wait3A_30 = tpu.memref_slice %arg2[%add3A_20] : memref<331776xi32, #tpu.memory_space<hbm>> -> memref<128xi32, #tpu.memory_space<hbm>>
        tpu.wait_dma2 semaphore(%run_scoped3A : memref<!tpu.dma_semaphore, #tpu.memory_space<semaphore_mem>>) src(%dma_wait3A_30 : memref<128xi32, #tpu.memory_space<hbm>>) dst(%arg10 : memref<128xi32, #tpu.memory_space<vmem>>)
        tpu.yield
      }) : () -> ()
      "tpu.region"() ({
        %run_scoped3A = tpu.sem_alloc : memref<!tpu.dma_semaphore, #tpu.memory_space<semaphore_mem>>
        %dma_start3A = tpu.memref_slice %arg3[%add3A_20] : memref<331776xi32, #tpu.memory_space<hbm>> -> memref<128xi32, #tpu.memory_space<hbm>>
        %dma_start3A_29 = tpu.memref_slice %arg3[%add3A_20] : memref<331776xi32, #tpu.memory_space<hbm>> -> memref<128xi32, #tpu.memory_space<hbm>>
        tpu.enqueue_dma source(%dma_start3A_29 : memref<128xi32, #tpu.memory_space<hbm>>) target(%arg11 : memref<128xi32, #tpu.memory_space<vmem>>) target_semaphore(%run_scoped3A : memref<!tpu.dma_semaphore, #tpu.memory_space<semaphore_mem>>)
        %dma_wait3A = tpu.memref_slice %arg3[%add3A_20] : memref<331776xi32, #tpu.memory_space<hbm>> -> memref<128xi32, #tpu.memory_space<hbm>>
        %dma_wait3A_30 = tpu.memref_slice %arg3[%add3A_20] : memref<331776xi32, #tpu.memory_space<hbm>> -> memref<128xi32, #tpu.memory_space<hbm>>
        tpu.wait_dma2 semaphore(%run_scoped3A : memref<!tpu.dma_semaphore, #tpu.memory_space<semaphore_mem>>) src(%dma_wait3A_30 : memref<128xi32, #tpu.memory_space<hbm>>) dst(%arg11 : memref<128xi32, #tpu.memory_space<vmem>>)
        tpu.yield
      }) : () -> ()
      "tpu.region"() ({
        %run_scoped3A = tpu.sem_alloc : memref<!tpu.dma_semaphore, #tpu.memory_space<semaphore_mem>>
        %dma_start3A = tpu.memref_slice %arg4[%add3A_20] : memref<331776xf32, #tpu.memory_space<hbm>> -> memref<128xf32, #tpu.memory_space<hbm>>
        %dma_start3A_29 = tpu.memref_slice %arg4[%add3A_20] : memref<331776xf32, #tpu.memory_space<hbm>> -> memref<128xf32, #tpu.memory_space<hbm>>
        tpu.enqueue_dma source(%dma_start3A_29 : memref<128xf32, #tpu.memory_space<hbm>>) target(%arg12 : memref<128xf32, #tpu.memory_space<vmem>>) target_semaphore(%run_scoped3A : memref<!tpu.dma_semaphore, #tpu.memory_space<semaphore_mem>>)
        %dma_wait3A = tpu.memref_slice %arg4[%add3A_20] : memref<331776xf32, #tpu.memory_space<hbm>> -> memref<128xf32, #tpu.memory_space<hbm>>
        %dma_wait3A_30 = tpu.memref_slice %arg4[%add3A_20] : memref<331776xf32, #tpu.memory_space<hbm>> -> memref<128xf32, #tpu.memory_space<hbm>>
        tpu.wait_dma2 semaphore(%run_scoped3A : memref<!tpu.dma_semaphore, #tpu.memory_space<semaphore_mem>>) src(%dma_wait3A_30 : memref<128xf32, #tpu.memory_space<hbm>>) dst(%arg12 : memref<128xf32, #tpu.memory_space<vmem>>)
        tpu.yield
      }) : () -> ()
      "tpu.region"() ({
        %run_scoped3A = tpu.sem_alloc : memref<!tpu.dma_semaphore, #tpu.memory_space<semaphore_mem>>
        %dma_start3A = arith.constant 0 : i32
        %dma_start3A_29 = arith.constant 0 : i32
        %dma_start3A_30 = tpu.memref_slice %arg5[%dma_start3A, %dma_start3A_29] : memref<10240x8xf32, #tpu.memory_space<hbm>> -> memref<10240x8xf32, #tpu.memory_space<hbm>>
        tpu.enqueue_indirect_dma source(%dma_start3A_30 : memref<10240x8xf32, #tpu.memory_space<hbm>>) target(%arg13 : memref<128x8xf32, #tpu.memory_space<vmem>>) offsets(%arg10 : memref<128xi32, #tpu.memory_space<vmem>>) semaphore(%run_scoped3A : memref<!tpu.dma_semaphore, #tpu.memory_space<semaphore_mem>>)
        %dma_wait3A = arith.constant 0 : i32
        %dma_wait3A_31 = arith.constant 0 : i32
        %dma_wait3A_32 = tpu.memref_slice %arg5[%dma_wait3A, %dma_wait3A_31] : memref<10240x8xf32, #tpu.memory_space<hbm>> -> memref<10240x8xf32, #tpu.memory_space<hbm>>
        tpu.wait_indirect_dma semaphore(%run_scoped3A : memref<!tpu.dma_semaphore, #tpu.memory_space<semaphore_mem>>) src(%dma_wait3A_32 : memref<10240x8xf32, #tpu.memory_space<hbm>>) dst(%arg13 : memref<128x8xf32, #tpu.memory_space<vmem>>)
        tpu.yield
      }) : () -> ()
      "tpu.region"() ({
        %run_scoped3A = tpu.sem_alloc : memref<!tpu.dma_semaphore, #tpu.memory_space<semaphore_mem>>
        %dma_start3A = arith.constant 0 : i32
        %dma_start3A_29 = arith.constant 0 : i32
        %dma_start3A_30 = tpu.memref_slice %arg5[%dma_start3A, %dma_start3A_29] : memref<10240x8xf32, #tpu.memory_space<hbm>> -> memref<10240x8xf32, #tpu.memory_space<hbm>>
        tpu.enqueue_indirect_dma source(%dma_start3A_30 : memref<10240x8xf32, #tpu.memory_space<hbm>>) target(%arg14 : memref<128x8xf32, #tpu.memory_space<vmem>>) offsets(%arg11 : memref<128xi32, #tpu.memory_space<vmem>>) semaphore(%run_scoped3A : memref<!tpu.dma_semaphore, #tpu.memory_space<semaphore_mem>>)
        %dma_wait3A = arith.constant 0 : i32
        %dma_wait3A_31 = arith.constant 0 : i32
        %dma_wait3A_32 = tpu.memref_slice %arg5[%dma_wait3A, %dma_wait3A_31] : memref<10240x8xf32, #tpu.memory_space<hbm>> -> memref<10240x8xf32, #tpu.memory_space<hbm>>
        tpu.wait_indirect_dma semaphore(%run_scoped3A : memref<!tpu.dma_semaphore, #tpu.memory_space<semaphore_mem>>) src(%dma_wait3A_32 : memref<10240x8xf32, #tpu.memory_space<hbm>>) dst(%arg14 : memref<128x8xf32, #tpu.memory_space<vmem>>)
        tpu.yield
      }) : () -> ()
      "tpu.region"() ({
        %run_scoped3A = tpu.sem_alloc : memref<!tpu.dma_semaphore, #tpu.memory_space<semaphore_mem>>
        %dma_start3A = arith.constant 0 : i32
        %dma_start3A_29 = arith.constant 0 : i32
        %dma_start3A_30 = tpu.memref_slice %arg6[%dma_start3A, %dma_start3A_29] : memref<10240x4xf32, #tpu.memory_space<hbm>> -> memref<10240x4xf32, #tpu.memory_space<hbm>>
        tpu.enqueue_indirect_dma source(%dma_start3A_30 : memref<10240x4xf32, #tpu.memory_space<hbm>>) target(%arg15 : memref<128x4xf32, #tpu.memory_space<vmem>>) offsets(%arg10 : memref<128xi32, #tpu.memory_space<vmem>>) semaphore(%run_scoped3A : memref<!tpu.dma_semaphore, #tpu.memory_space<semaphore_mem>>)
        %dma_wait3A = arith.constant 0 : i32
        %dma_wait3A_31 = arith.constant 0 : i32
        %dma_wait3A_32 = tpu.memref_slice %arg6[%dma_wait3A, %dma_wait3A_31] : memref<10240x4xf32, #tpu.memory_space<hbm>> -> memref<10240x4xf32, #tpu.memory_space<hbm>>
        tpu.wait_indirect_dma semaphore(%run_scoped3A : memref<!tpu.dma_semaphore, #tpu.memory_space<semaphore_mem>>) src(%dma_wait3A_32 : memref<10240x4xf32, #tpu.memory_space<hbm>>) dst(%arg15 : memref<128x4xf32, #tpu.memory_space<vmem>>)
        tpu.yield
      }) : () -> ()
      %scan3A_21 = arith.constant 0 : i32
      %scan3A_22 = arith.constant 0 : i32
      %scan3A_23 = arith.constant 8 : i32
      %scan3A_24 = arith.addi %scan3A_22, %scan3A_23 : i32
      %scan3A_25 = arith.constant 1 : i32
      %scan3A_26 = scf.for %scan3A_29 = %scan3A_22 to %scan3A_24 step %scan3A_25 iter_args(%scan3A_30 = %scan3A_21) -> (i32)  : i32 {
        %mul3A_31 = arith.constant 16 : i32
        %mul3A_32 = arith.muli %scan3A_29, %mul3A_31 : i32
        %mul3A_33 = arith.constant 16 : i32
        %mul3A_34 = arith.muli %scan3A_29, %mul3A_33 : i32
        %add3A_35 = vector.broadcast %mul3A_34 : i32 to vector<16xi32>
        %add3A_36 = arith.addi %iota3A, %add3A_35 : vector<16xi32>
        %get3A = arith.index_cast %mul3A_32 : i32 to index
        %get3A_37 = tpu.vector_load %arg12[%get3A] {strides = array<i32>} : memref<128xf32, #tpu.memory_space<vmem>>, vector<16xf32>,
        %abs3A = math.absf %get3A_37 : vector<16xf32>
        %broadcast_in_dim3A = arith.constant 0 : i32
        %broadcast_in_dim3A_38 = vector.broadcast %broadcast_in_dim3A : i32 to vector<16xi32>
        %gather3A = tpu.vector_load_idx %arg13[%add3A_36, %broadcast_in_dim3A_38] : memref<128x8xf32, #tpu.memory_space<vmem>>[vector<16xi32>, vector<16xi32>], vector<16xf32>,
        %broadcast_in_dim3A_39 = arith.constant 4 : i32
        %broadcast_in_dim3A_40 = vector.broadcast %broadcast_in_dim3A_39 : i32 to vector<16xi32>
        %gather3A_41 = tpu.vector_load_idx %arg14[%add3A_36, %broadcast_in_dim3A_40] : memref<128x8xf32, #tpu.memory_space<vmem>>[vector<16xi32>, vector<16xi32>], vector<16xf32>,
        %add3A_42 = arith.addf %gather3A, %gather3A_41 : vector<16xf32>
        %mul3A_43 = arith.mulf %add3A_42, %abs3A : vector<16xf32>
        %ge3A = arith.constant 0.000000e+00 : f32
        %ge3A_44 = vector.broadcast %ge3A : f32 to vector<16xf32>
        %ge3A_45 = arith.cmpf oge, %mul3A_43, %ge3A_44 : vector<16xf32>
        %mul3A_46 = arith.constant 2.000000e-01 : f32
        %mul3A_47 = vector.broadcast %mul3A_46 : f32 to vector<16xf32>
        %mul3A_48 = arith.mulf %mul3A_47, %mul3A_43 : vector<16xf32>
        %select_n3A = arith.select %ge3A_45, %mul3A_43, %mul3A_48 : vector<16xi1>, vector<16xf32>
        %mul3A_49 = arith.constant 1.000000e+02 : f32
        %mul3A_50 = vector.broadcast %mul3A_49 : f32 to vector<16xf32>
        %mul3A_51 = arith.mulf %select_n3A, %mul3A_50 : vector<16xf32>
        %broadcast_in_dim3A_52 = arith.constant 1 : i32
        %broadcast_in_dim3A_53 = vector.broadcast %broadcast_in_dim3A_52 : i32 to vector<16xi32>
        %gather3A_54 = tpu.vector_load_idx %arg13[%add3A_36, %broadcast_in_dim3A_53] : memref<128x8xf32, #tpu.memory_space<vmem>>[vector<16xi32>, vector<16xi32>], vector<16xf32>,
        %broadcast_in_dim3A_55 = arith.constant 5 : i32
        %broadcast_in_dim3A_56 = vector.broadcast %broadcast_in_dim3A_55 : i32 to vector<16xi32>
        %gather3A_57 = tpu.vector_load_idx %arg14[%add3A_36, %broadcast_in_dim3A_56] : memref<128x8xf32, #tpu.memory_space<vmem>>[vector<16xi32>, vector<16xi32>], vector<16xf32>,
        %add3A_58 = arith.addf %gather3A_54, %gather3A_57 : vector<16xf32>
        %mul3A_59 = arith.mulf %add3A_58, %abs3A : vector<16xf32>
        %ge3A_60 = arith.constant 0.000000e+00 : f32
        %ge3A_61 = vector.broadcast %ge3A_60 : f32 to vector<16xf32>
        %ge3A_62 = arith.cmpf oge, %mul3A_59, %ge3A_61 : vector<16xf32>
        %mul3A_63 = arith.constant 2.000000e-01 : f32
        %mul3A_64 = vector.broadcast %mul3A_63 : f32 to vector<16xf32>
        %mul3A_65 = arith.mulf %mul3A_64, %mul3A_59 : vector<16xf32>
        %select_n3A_66 = arith.select %ge3A_62, %mul3A_59, %mul3A_65 : vector<16xi1>, vector<16xf32>
        %mul3A_67 = arith.constant 1.000000e+02 : f32
        %mul3A_68 = vector.broadcast %mul3A_67 : f32 to vector<16xf32>
        %mul3A_69 = arith.mulf %select_n3A_66, %mul3A_68 : vector<16xf32>
        %broadcast_in_dim3A_70 = arith.constant 2 : i32
        %broadcast_in_dim3A_71 = vector.broadcast %broadcast_in_dim3A_70 : i32 to vector<16xi32>
        %gather3A_72 = tpu.vector_load_idx %arg13[%add3A_36, %broadcast_in_dim3A_71] : memref<128x8xf32, #tpu.memory_space<vmem>>[vector<16xi32>, vector<16xi32>], vector<16xf32>,
        %broadcast_in_dim3A_73 = arith.constant 6 : i32
        %broadcast_in_dim3A_74 = vector.broadcast %broadcast_in_dim3A_73 : i32 to vector<16xi32>
        %gather3A_75 = tpu.vector_load_idx %arg14[%add3A_36, %broadcast_in_dim3A_74] : memref<128x8xf32, #tpu.memory_space<vmem>>[vector<16xi32>, vector<16xi32>], vector<16xf32>,
        %add3A_76 = arith.addf %gather3A_72, %gather3A_75 : vector<16xf32>
        %mul3A_77 = arith.mulf %add3A_76, %abs3A : vector<16xf32>
        %ge3A_78 = arith.constant 0.000000e+00 : f32
        %ge3A_79 = vector.broadcast %ge3A_78 : f32 to vector<16xf32>
        %ge3A_80 = arith.cmpf oge, %mul3A_77, %ge3A_79 : vector<16xf32>
        %mul3A_81 = arith.constant 2.000000e-01 : f32
        %mul3A_82 = vector.broadcast %mul3A_81 : f32 to vector<16xf32>
        %mul3A_83 = arith.mulf %mul3A_82, %mul3A_77 : vector<16xf32>
        %select_n3A_84 = arith.select %ge3A_80, %mul3A_77, %mul3A_83 : vector<16xi1>, vector<16xf32>
        %mul3A_85 = arith.constant 1.000000e+02 : f32
        %mul3A_86 = vector.broadcast %mul3A_85 : f32 to vector<16xf32>
        %mul3A_87 = arith.mulf %select_n3A_84, %mul3A_86 : vector<16xf32>
        %broadcast_in_dim3A_88 = arith.constant 3 : i32
        %broadcast_in_dim3A_89 = vector.broadcast %broadcast_in_dim3A_88 : i32 to vector<16xi32>
        %gather3A_90 = tpu.vector_load_idx %arg13[%add3A_36, %broadcast_in_dim3A_89] : memref<128x8xf32, #tpu.memory_space<vmem>>[vector<16xi32>, vector<16xi32>], vector<16xf32>,
        %broadcast_in_dim3A_91 = arith.constant 7 : i32
        %broadcast_in_dim3A_92 = vector.broadcast %broadcast_in_dim3A_91 : i32 to vector<16xi32>
        %gather3A_93 = tpu.vector_load_idx %arg14[%add3A_36, %broadcast_in_dim3A_92] : memref<128x8xf32, #tpu.memory_space<vmem>>[vector<16xi32>, vector<16xi32>], vector<16xf32>,
        %add3A_94 = arith.addf %gather3A_90, %gather3A_93 : vector<16xf32>
        %mul3A_95 = arith.mulf %add3A_94, %abs3A : vector<16xf32>
        %ge3A_96 = arith.constant 0.000000e+00 : f32
        %ge3A_97 = vector.broadcast %ge3A_96 : f32 to vector<16xf32>
        %ge3A_98 = arith.cmpf oge, %mul3A_95, %ge3A_97 : vector<16xf32>
        %mul3A_99 = arith.constant 2.000000e-01 : f32
        %mul3A_100 = vector.broadcast %mul3A_99 : f32 to vector<16xf32>
        %mul3A_101 = arith.mulf %mul3A_100, %mul3A_95 : vector<16xf32>
        %select_n3A_102 = arith.select %ge3A_98, %mul3A_95, %mul3A_101 : vector<16xi1>, vector<16xf32>
        %mul3A_103 = arith.constant 1.000000e+02 : f32
        %mul3A_104 = vector.broadcast %mul3A_103 : f32 to vector<16xf32>
        %mul3A_105 = arith.mulf %select_n3A_102, %mul3A_104 : vector<16xf32>
        %broadcast_in_dim3A_106 = arith.constant 0 : i32
        %broadcast_in_dim3A_107 = vector.broadcast %broadcast_in_dim3A_106 : i32 to vector<16xi32>
        %gather3A_108 = tpu.vector_load_idx %arg15[%add3A_36, %broadcast_in_dim3A_107] : memref<128x4xf32, #tpu.memory_space<vmem>>[vector<16xi32>, vector<16xi32>], vector<16xf32>,
        %sub3A = arith.subf %mul3A_51, %gather3A_108 : vector<16xf32>
        %exp3A = math.exp %sub3A : vector<16xf32>
        tpu.vector_store_idx %arg16[%add3A_36, %broadcast_in_dim3A_107], %exp3A : memref<128x4xf32, #tpu.memory_space<vmem>>[vector<16xi32>, vector<16xi32>], vector<16xf32>,
        %broadcast_in_dim3A_109 = arith.constant 1 : i32
        %broadcast_in_dim3A_110 = vector.broadcast %broadcast_in_dim3A_109 : i32 to vector<16xi32>
        %gather3A_111 = tpu.vector_load_idx %arg15[%add3A_36, %broadcast_in_dim3A_110] : memref<128x4xf32, #tpu.memory_space<vmem>>[vector<16xi32>, vector<16xi32>], vector<16xf32>,
        %sub3A_112 = arith.subf %mul3A_69, %gather3A_111 : vector<16xf32>
        %exp3A_113 = math.exp %sub3A_112 : vector<16xf32>
        tpu.vector_store_idx %arg16[%add3A_36, %broadcast_in_dim3A_110], %exp3A_113 : memref<128x4xf32, #tpu.memory_space<vmem>>[vector<16xi32>, vector<16xi32>], vector<16xf32>,
        %broadcast_in_dim3A_114 = arith.constant 2 : i32
        %broadcast_in_dim3A_115 = vector.broadcast %broadcast_in_dim3A_114 : i32 to vector<16xi32>
        %gather3A_116 = tpu.vector_load_idx %arg15[%add3A_36, %broadcast_in_dim3A_115] : memref<128x4xf32, #tpu.memory_space<vmem>>[vector<16xi32>, vector<16xi32>], vector<16xf32>,
        %sub3A_117 = arith.subf %mul3A_87, %gather3A_116 : vector<16xf32>
        %exp3A_118 = math.exp %sub3A_117 : vector<16xf32>
        tpu.vector_store_idx %arg16[%add3A_36, %broadcast_in_dim3A_115], %exp3A_118 : memref<128x4xf32, #tpu.memory_space<vmem>>[vector<16xi32>, vector<16xi32>], vector<16xf32>,
        %broadcast_in_dim3A_119 = arith.constant 3 : i32
        %broadcast_in_dim3A_120 = vector.broadcast %broadcast_in_dim3A_119 : i32 to vector<16xi32>
        %gather3A_121 = tpu.vector_load_idx %arg15[%add3A_36, %broadcast_in_dim3A_120] : memref<128x4xf32, #tpu.memory_space<vmem>>[vector<16xi32>, vector<16xi32>], vector<16xf32>,
        %sub3A_122 = arith.subf %mul3A_105, %gather3A_121 : vector<16xf32>
        %exp3A_123 = math.exp %sub3A_122 : vector<16xf32>
        tpu.vector_store_idx %arg16[%add3A_36, %broadcast_in_dim3A_120], %exp3A_123 : memref<128x4xf32, #tpu.memory_space<vmem>>[vector<16xi32>, vector<16xi32>], vector<16xf32>,
        %scan3A_124 = arith.constant 0 : i32
        scf.yield %scan3A_124 : i32
      }
      %scan3A_27 = arith.constant 8 : i32
      "tpu.region"() ({
        %run_scoped3A = tpu.sem_alloc : memref<!tpu.dma_semaphore, #tpu.memory_space<semaphore_mem>>
        %dma_start3A = arith.constant 0 : i32
        %dma_start3A_29 = tpu.memref_slice %arg8[%add3A_20, %dma_start3A] : memref<331776x4xf32, #tpu.memory_space<hbm>> -> memref<128x4xf32, #tpu.memory_space<hbm>>
        %dma_start3A_30 = arith.constant 0 : i32
        %dma_start3A_31 = tpu.memref_slice %arg8[%add3A_20, %dma_start3A_30] : memref<331776x4xf32, #tpu.memory_space<hbm>> -> memref<128x4xf32, #tpu.memory_space<hbm>>
        tpu.enqueue_dma source(%arg16 : memref<128x4xf32, #tpu.memory_space<vmem>>) target(%dma_start3A_31 : memref<128x4xf32, #tpu.memory_space<hbm>>) target_semaphore(%run_scoped3A : memref<!tpu.dma_semaphore, #tpu.memory_space<semaphore_mem>>)
        %dma_wait3A = arith.constant 0 : i32
        %dma_wait3A_32 = tpu.memref_slice %arg8[%add3A_20, %dma_wait3A] : memref<331776x4xf32, #tpu.memory_space<hbm>> -> memref<128x4xf32, #tpu.memory_space<hbm>>
        %dma_wait3A_33 = arith.constant 0 : i32
        %dma_wait3A_34 = tpu.memref_slice %arg8[%add3A_20, %dma_wait3A_33] : memref<331776x4xf32, #tpu.memory_space<hbm>> -> memref<128x4xf32, #tpu.memory_space<hbm>>
        tpu.wait_dma2 semaphore(%run_scoped3A : memref<!tpu.dma_semaphore, #tpu.memory_space<semaphore_mem>>) src(%arg16 : memref<128x4xf32, #tpu.memory_space<vmem>>) dst(%dma_wait3A_34 : memref<128x4xf32, #tpu.memory_space<hbm>>)
        tpu.yield
      }) : () -> ()
      "tpu.region"() ({
        %run_scoped3A = tpu.sem_alloc : memref<!tpu.dma_semaphore, #tpu.memory_space<semaphore_mem>>
        %dma_start3A = arith.constant 0 : i32
        %dma_start3A_29 = arith.constant 0 : i32
        %dma_start3A_30 = tpu.memref_slice %arg17[%dma_start3A, %dma_start3A_29] : memref<10240x4xf32, #tpu.memory_space<vmem_shared>> -> memref<10240x4xf32, #tpu.memory_space<vmem_shared>>
        tpu.enqueue_indirect_dma source(%arg16 : memref<128x4xf32, #tpu.memory_space<vmem>>) target(%dma_start3A_30 : memref<10240x4xf32, #tpu.memory_space<vmem_shared>>) offsets(%arg10 : memref<128xi32, #tpu.memory_space<vmem>>) semaphore(%run_scoped3A : memref<!tpu.dma_semaphore, #tpu.memory_space<semaphore_mem>>) {add = true}
        %dma_wait3A = arith.constant 0 : i32
        %dma_wait3A_31 = arith.constant 0 : i32
        %dma_wait3A_32 = tpu.memref_slice %arg17[%dma_wait3A, %dma_wait3A_31] : memref<10240x4xf32, #tpu.memory_space<vmem_shared>> -> memref<10240x4xf32, #tpu.memory_space<vmem_shared>>
        tpu.wait_indirect_dma semaphore(%run_scoped3A : memref<!tpu.dma_semaphore, #tpu.memory_space<semaphore_mem>>) src(%arg16 : memref<128x4xf32, #tpu.memory_space<vmem>>) dst(%dma_wait3A_32 : memref<10240x4xf32, #tpu.memory_space<vmem_shared>>)
        tpu.yield
      }) : () -> ()
      %scan3A_28 = arith.constant 0 : i32
      scf.yield %scan3A_28 : i32
    }
    %scan3A_12 = arith.constant 81 : i32
    %barrier3A_13 = arith.constant 0 : index
    tpu.barrier barrier_id(%barrier3A_13)
    %eq3A = arith.constant 0 : i32
    %eq3A_14 = arith.cmpi eq, %arg1, %eq3A : i32
    %convert_element_type3A = arith.extui %eq3A_14 : i1 to i32
    %cond3A = arith.constant 0 : i32
    %cond3A_15 = arith.cmpi ne, %convert_element_type3A, %cond3A : i32
    scf.if %cond3A_15 {
      "tpu.region"() ({
        %run_scoped3A = tpu.sem_alloc : memref<!tpu.dma_semaphore, #tpu.memory_space<semaphore_mem>>
        %dma_start3A = arith.constant 0 : i32
        %dma_start3A_16 = arith.constant 0 : i32
        %dma_start3A_17 = tpu.memref_slice %arg9[%arg0, %dma_start3A, %dma_start3A_16] : memref<2x10240x4xf32, #tpu.memory_space<hbm>> -> memref<1x10240x4xf32, #tpu.memory_space<hbm>>
        %dma_start3A_18 = tpu.memref_squeeze %dma_start3A_17 : memref<1x10240x4xf32, #tpu.memory_space<hbm>> -> memref<10240x4xf32, #tpu.memory_space<hbm>>
        tpu.enqueue_dma source(%arg17 : memref<10240x4xf32, #tpu.memory_space<vmem_shared>>) target(%dma_start3A_18 : memref<10240x4xf32, #tpu.memory_space<hbm>>) target_semaphore(%run_scoped3A : memref<!tpu.dma_semaphore, #tpu.memory_space<semaphore_mem>>)
        %dma_wait3A = arith.constant 0 : i32
        %dma_wait3A_19 = arith.constant 0 : i32
        %dma_wait3A_20 = tpu.memref_slice %arg9[%arg0, %dma_wait3A, %dma_wait3A_19] : memref<2x10240x4xf32, #tpu.memory_space<hbm>> -> memref<1x10240x4xf32, #tpu.memory_space<hbm>>
        %dma_wait3A_21 = tpu.memref_squeeze %dma_wait3A_20 : memref<1x10240x4xf32, #tpu.memory_space<hbm>> -> memref<10240x4xf32, #tpu.memory_space<hbm>>
        tpu.wait_dma2 semaphore(%run_scoped3A : memref<!tpu.dma_semaphore, #tpu.memory_space<semaphore_mem>>) src(%arg17 : memref<10240x4xf32, #tpu.memory_space<vmem_shared>>) dst(%dma_wait3A_21 : memref<10240x4xf32, #tpu.memory_space<hbm>>)
        tpu.yield
      }) : () -> ()
    } else {
    }
    return
  }
}

#map = affine_map<(d0, d1) -> (0)>
#map1 = affine_map<(d0, d1) -> (0, 0)>
#map2 = affine_map<(d0, d1) -> (0, 0, 0)>
module attributes {stable_mosaic.version = 14 : i64} {
  func.func @_sc_norm_body(%arg0: i32, %arg1: i32, %arg2: memref<331776xi32, #tpu.memory_space<hbm>>, %arg3: memref<331776x4xf32, #tpu.memory_space<hbm>>, %arg4: memref<2x10240x4xf32, #tpu.memory_space<hbm>>, %arg5: memref<331776x4xf32, #tpu.memory_space<hbm>>, %arg6: memref<128xi32, #tpu.memory_space<vmem>>, %arg7: memref<128x4xf32, #tpu.memory_space<vmem>>, %arg8: memref<128x4xf32, #tpu.memory_space<vmem>>, %arg9: memref<128x4xf32, #tpu.memory_space<vmem>>, %arg10: memref<128x4xf32, #tpu.memory_space<vmem>>) attributes {dimension_semantics = [#tpu.dimension_semantics<core_parallel>, #tpu.dimension_semantics<subcore_parallel>], iteration_bounds = array<i64: 2, 16>, scalar_prefetch = 0 : i64, scratch_operands = 5 : i64, tpu.core_type = #tpu.core_type<sc_vector_subcore>, window_params = [{transform_indices = #map}, {transform_indices = #map1}, {transform_indices = #map2}, {transform_indices = #map1}]} {
    %mul3A = arith.constant 2 : i32
    %mul3A_0 = arith.muli %arg1, %mul3A : i32
    %add3A = arith.addi %mul3A_0, %arg0 : i32
    %iota3A = tpu.iota {dimensions = array<i32: 0>} : vector<16xi32>
    %mul3A_1 = arith.constant 10368 : i32
    %mul3A_2 = arith.muli %add3A, %mul3A_1 : i32
    %scan3A = arith.constant 0 : i32
    %scan3A_3 = arith.constant 0 : i32
    %scan3A_4 = arith.constant 81 : i32
    %scan3A_5 = arith.addi %scan3A_3, %scan3A_4 : i32
    %scan3A_6 = arith.constant 1 : i32
    %scan3A_7 = scf.for %scan3A_9 = %scan3A_3 to %scan3A_5 step %scan3A_6 iter_args(%scan3A_10 = %scan3A) -> (i32)  : i32 {
      %mul3A_11 = arith.constant 128 : i32
      %mul3A_12 = arith.muli %scan3A_9, %mul3A_11 : i32
      %add3A_13 = arith.addi %mul3A_2, %mul3A_12 : i32
      "tpu.region"() ({
        %run_scoped3A_23 = tpu.sem_alloc : memref<!tpu.dma_semaphore, #tpu.memory_space<semaphore_mem>>
        %dma_start3A = tpu.memref_slice %arg2[%add3A_13] : memref<331776xi32, #tpu.memory_space<hbm>> -> memref<128xi32, #tpu.memory_space<hbm>>
        %dma_start3A_24 = tpu.memref_slice %arg2[%add3A_13] : memref<331776xi32, #tpu.memory_space<hbm>> -> memref<128xi32, #tpu.memory_space<hbm>>
        tpu.enqueue_dma source(%dma_start3A_24 : memref<128xi32, #tpu.memory_space<hbm>>) target(%arg6 : memref<128xi32, #tpu.memory_space<vmem>>) target_semaphore(%run_scoped3A_23 : memref<!tpu.dma_semaphore, #tpu.memory_space<semaphore_mem>>)
        %dma_wait3A = tpu.memref_slice %arg2[%add3A_13] : memref<331776xi32, #tpu.memory_space<hbm>> -> memref<128xi32, #tpu.memory_space<hbm>>
        %dma_wait3A_25 = tpu.memref_slice %arg2[%add3A_13] : memref<331776xi32, #tpu.memory_space<hbm>> -> memref<128xi32, #tpu.memory_space<hbm>>
        tpu.wait_dma2 semaphore(%run_scoped3A_23 : memref<!tpu.dma_semaphore, #tpu.memory_space<semaphore_mem>>) src(%dma_wait3A_25 : memref<128xi32, #tpu.memory_space<hbm>>) dst(%arg6 : memref<128xi32, #tpu.memory_space<vmem>>)
        tpu.yield
      }) : () -> ()
      "tpu.region"() ({
        %run_scoped3A_23 = tpu.sem_alloc : memref<!tpu.dma_semaphore, #tpu.memory_space<semaphore_mem>>
        %dma_start3A = arith.constant 0 : i32
        %dma_start3A_24 = tpu.memref_slice %arg3[%add3A_13, %dma_start3A] : memref<331776x4xf32, #tpu.memory_space<hbm>> -> memref<128x4xf32, #tpu.memory_space<hbm>>
        %dma_start3A_25 = arith.constant 0 : i32
        %dma_start3A_26 = tpu.memref_slice %arg3[%add3A_13, %dma_start3A_25] : memref<331776x4xf32, #tpu.memory_space<hbm>> -> memref<128x4xf32, #tpu.memory_space<hbm>>
        tpu.enqueue_dma source(%dma_start3A_26 : memref<128x4xf32, #tpu.memory_space<hbm>>) target(%arg7 : memref<128x4xf32, #tpu.memory_space<vmem>>) target_semaphore(%run_scoped3A_23 : memref<!tpu.dma_semaphore, #tpu.memory_space<semaphore_mem>>)
        %dma_wait3A = arith.constant 0 : i32
        %dma_wait3A_27 = tpu.memref_slice %arg3[%add3A_13, %dma_wait3A] : memref<331776x4xf32, #tpu.memory_space<hbm>> -> memref<128x4xf32, #tpu.memory_space<hbm>>
        %dma_wait3A_28 = arith.constant 0 : i32
        %dma_wait3A_29 = tpu.memref_slice %arg3[%add3A_13, %dma_wait3A_28] : memref<331776x4xf32, #tpu.memory_space<hbm>> -> memref<128x4xf32, #tpu.memory_space<hbm>>
        tpu.wait_dma2 semaphore(%run_scoped3A_23 : memref<!tpu.dma_semaphore, #tpu.memory_space<semaphore_mem>>) src(%dma_wait3A_29 : memref<128x4xf32, #tpu.memory_space<hbm>>) dst(%arg7 : memref<128x4xf32, #tpu.memory_space<vmem>>)
        tpu.yield
      }) : () -> ()
      %run_scoped3A = arith.constant 0 : i32
      "tpu.region"() ({
        %run_scoped3A_23 = tpu.sem_alloc : memref<!tpu.dma_semaphore, #tpu.memory_space<semaphore_mem>>
        %dma_start3A = arith.constant 0 : i32
        %dma_start3A_24 = arith.constant 0 : i32
        %dma_start3A_25 = tpu.memref_slice %arg4[%run_scoped3A, %dma_start3A, %dma_start3A_24] : memref<2x10240x4xf32, #tpu.memory_space<hbm>> -> memref<1x10240x4xf32, #tpu.memory_space<hbm>>
        %dma_start3A_26 = tpu.memref_squeeze %dma_start3A_25 : memref<1x10240x4xf32, #tpu.memory_space<hbm>> -> memref<10240x4xf32, #tpu.memory_space<hbm>>
        %dma_start3A_27 = arith.constant 0 : i32
        %dma_start3A_28 = arith.constant 0 : i32
        %dma_start3A_29 = tpu.memref_slice %dma_start3A_26[%dma_start3A_27, %dma_start3A_28] : memref<10240x4xf32, #tpu.memory_space<hbm>> -> memref<10240x4xf32, #tpu.memory_space<hbm>>
        tpu.enqueue_indirect_dma source(%dma_start3A_29 : memref<10240x4xf32, #tpu.memory_space<hbm>>) target(%arg8 : memref<128x4xf32, #tpu.memory_space<vmem>>) offsets(%arg6 : memref<128xi32, #tpu.memory_space<vmem>>) semaphore(%run_scoped3A_23 : memref<!tpu.dma_semaphore, #tpu.memory_space<semaphore_mem>>)
        %dma_wait3A = arith.constant 0 : i32
        %dma_wait3A_30 = arith.constant 0 : i32
        %dma_wait3A_31 = tpu.memref_slice %arg4[%run_scoped3A, %dma_wait3A, %dma_wait3A_30] : memref<2x10240x4xf32, #tpu.memory_space<hbm>> -> memref<1x10240x4xf32, #tpu.memory_space<hbm>>
        %dma_wait3A_32 = tpu.memref_squeeze %dma_wait3A_31 : memref<1x10240x4xf32, #tpu.memory_space<hbm>> -> memref<10240x4xf32, #tpu.memory_space<hbm>>
        %dma_wait3A_33 = arith.constant 0 : i32
        %dma_wait3A_34 = arith.constant 0 : i32
        %dma_wait3A_35 = tpu.memref_slice %dma_wait3A_32[%dma_wait3A_33, %dma_wait3A_34] : memref<10240x4xf32, #tpu.memory_space<hbm>> -> memref<10240x4xf32, #tpu.memory_space<hbm>>
        tpu.wait_indirect_dma semaphore(%run_scoped3A_23 : memref<!tpu.dma_semaphore, #tpu.memory_space<semaphore_mem>>) src(%dma_wait3A_35 : memref<10240x4xf32, #tpu.memory_space<hbm>>) dst(%arg8 : memref<128x4xf32, #tpu.memory_space<vmem>>)
        tpu.yield
      }) : () -> ()
      %run_scoped3A_14 = arith.constant 1 : i32
      "tpu.region"() ({
        %run_scoped3A_23 = tpu.sem_alloc : memref<!tpu.dma_semaphore, #tpu.memory_space<semaphore_mem>>
        %dma_start3A = arith.constant 0 : i32
        %dma_start3A_24 = arith.constant 0 : i32
        %dma_start3A_25 = tpu.memref_slice %arg4[%run_scoped3A_14, %dma_start3A, %dma_start3A_24] : memref<2x10240x4xf32, #tpu.memory_space<hbm>> -> memref<1x10240x4xf32, #tpu.memory_space<hbm>>
        %dma_start3A_26 = tpu.memref_squeeze %dma_start3A_25 : memref<1x10240x4xf32, #tpu.memory_space<hbm>> -> memref<10240x4xf32, #tpu.memory_space<hbm>>
        %dma_start3A_27 = arith.constant 0 : i32
        %dma_start3A_28 = arith.constant 0 : i32
        %dma_start3A_29 = tpu.memref_slice %dma_start3A_26[%dma_start3A_27, %dma_start3A_28] : memref<10240x4xf32, #tpu.memory_space<hbm>> -> memref<10240x4xf32, #tpu.memory_space<hbm>>
        tpu.enqueue_indirect_dma source(%dma_start3A_29 : memref<10240x4xf32, #tpu.memory_space<hbm>>) target(%arg9 : memref<128x4xf32, #tpu.memory_space<vmem>>) offsets(%arg6 : memref<128xi32, #tpu.memory_space<vmem>>) semaphore(%run_scoped3A_23 : memref<!tpu.dma_semaphore, #tpu.memory_space<semaphore_mem>>)
        %dma_wait3A = arith.constant 0 : i32
        %dma_wait3A_30 = arith.constant 0 : i32
        %dma_wait3A_31 = tpu.memref_slice %arg4[%run_scoped3A_14, %dma_wait3A, %dma_wait3A_30] : memref<2x10240x4xf32, #tpu.memory_space<hbm>> -> memref<1x10240x4xf32, #tpu.memory_space<hbm>>
        %dma_wait3A_32 = tpu.memref_squeeze %dma_wait3A_31 : memref<1x10240x4xf32, #tpu.memory_space<hbm>> -> memref<10240x4xf32, #tpu.memory_space<hbm>>
        %dma_wait3A_33 = arith.constant 0 : i32
        %dma_wait3A_34 = arith.constant 0 : i32
        %dma_wait3A_35 = tpu.memref_slice %dma_wait3A_32[%dma_wait3A_33, %dma_wait3A_34] : memref<10240x4xf32, #tpu.memory_space<hbm>> -> memref<10240x4xf32, #tpu.memory_space<hbm>>
        tpu.wait_indirect_dma semaphore(%run_scoped3A_23 : memref<!tpu.dma_semaphore, #tpu.memory_space<semaphore_mem>>) src(%dma_wait3A_35 : memref<10240x4xf32, #tpu.memory_space<hbm>>) dst(%arg9 : memref<128x4xf32, #tpu.memory_space<vmem>>)
        tpu.yield
      }) : () -> ()
      %scan3A_15 = arith.constant 0 : i32
      %scan3A_16 = arith.constant 0 : i32
      %scan3A_17 = arith.constant 8 : i32
      %scan3A_18 = arith.addi %scan3A_16, %scan3A_17 : i32
      %scan3A_19 = arith.constant 1 : i32
      %scan3A_20 = scf.for %scan3A_23 = %scan3A_16 to %scan3A_18 step %scan3A_19 iter_args(%scan3A_24 = %scan3A_15) -> (i32)  : i32 {
        %mul3A_25 = arith.constant 16 : i32
        %mul3A_26 = arith.muli %scan3A_23, %mul3A_25 : i32
        %add3A_27 = vector.broadcast %mul3A_26 : i32 to vector<16xi32>
        %add3A_28 = arith.addi %iota3A, %add3A_27 : vector<16xi32>
        %broadcast_in_dim3A = arith.constant 0 : i32
        %broadcast_in_dim3A_29 = vector.broadcast %broadcast_in_dim3A : i32 to vector<16xi32>
        %gather3A = tpu.vector_load_idx %arg7[%add3A_28, %broadcast_in_dim3A_29] : memref<128x4xf32, #tpu.memory_space<vmem>>[vector<16xi32>, vector<16xi32>], vector<16xf32>,
        %gather3A_30 = tpu.vector_load_idx %arg8[%add3A_28, %broadcast_in_dim3A_29] : memref<128x4xf32, #tpu.memory_space<vmem>>[vector<16xi32>, vector<16xi32>], vector<16xf32>,
        %gather3A_31 = tpu.vector_load_idx %arg9[%add3A_28, %broadcast_in_dim3A_29] : memref<128x4xf32, #tpu.memory_space<vmem>>[vector<16xi32>, vector<16xi32>], vector<16xf32>,
        %add3A_32 = arith.addf %gather3A_30, %gather3A_31 : vector<16xf32>
        %add3A_33 = arith.constant 1.000000e-16 : f32
        %add3A_34 = vector.broadcast %add3A_33 : f32 to vector<16xf32>
        %add3A_35 = arith.addf %add3A_32, %add3A_34 : vector<16xf32>
        %div3A = arith.divf %gather3A, %add3A_35 : vector<16xf32>
        tpu.vector_store_idx %arg10[%add3A_28, %broadcast_in_dim3A_29], %div3A : memref<128x4xf32, #tpu.memory_space<vmem>>[vector<16xi32>, vector<16xi32>], vector<16xf32>,
        %broadcast_in_dim3A_36 = arith.constant 1 : i32
        %broadcast_in_dim3A_37 = vector.broadcast %broadcast_in_dim3A_36 : i32 to vector<16xi32>
        %gather3A_38 = tpu.vector_load_idx %arg7[%add3A_28, %broadcast_in_dim3A_37] : memref<128x4xf32, #tpu.memory_space<vmem>>[vector<16xi32>, vector<16xi32>], vector<16xf32>,
        %gather3A_39 = tpu.vector_load_idx %arg8[%add3A_28, %broadcast_in_dim3A_37] : memref<128x4xf32, #tpu.memory_space<vmem>>[vector<16xi32>, vector<16xi32>], vector<16xf32>,
        %gather3A_40 = tpu.vector_load_idx %arg9[%add3A_28, %broadcast_in_dim3A_37] : memref<128x4xf32, #tpu.memory_space<vmem>>[vector<16xi32>, vector<16xi32>], vector<16xf32>,
        %add3A_41 = arith.addf %gather3A_39, %gather3A_40 : vector<16xf32>
        %add3A_42 = arith.constant 1.000000e-16 : f32
        %add3A_43 = vector.broadcast %add3A_42 : f32 to vector<16xf32>
        %add3A_44 = arith.addf %add3A_41, %add3A_43 : vector<16xf32>
        %div3A_45 = arith.divf %gather3A_38, %add3A_44 : vector<16xf32>
        tpu.vector_store_idx %arg10[%add3A_28, %broadcast_in_dim3A_37], %div3A_45 : memref<128x4xf32, #tpu.memory_space<vmem>>[vector<16xi32>, vector<16xi32>], vector<16xf32>,
        %broadcast_in_dim3A_46 = arith.constant 2 : i32
        %broadcast_in_dim3A_47 = vector.broadcast %broadcast_in_dim3A_46 : i32 to vector<16xi32>
        %gather3A_48 = tpu.vector_load_idx %arg7[%add3A_28, %broadcast_in_dim3A_47] : memref<128x4xf32, #tpu.memory_space<vmem>>[vector<16xi32>, vector<16xi32>], vector<16xf32>,
        %gather3A_49 = tpu.vector_load_idx %arg8[%add3A_28, %broadcast_in_dim3A_47] : memref<128x4xf32, #tpu.memory_space<vmem>>[vector<16xi32>, vector<16xi32>], vector<16xf32>,
        %gather3A_50 = tpu.vector_load_idx %arg9[%add3A_28, %broadcast_in_dim3A_47] : memref<128x4xf32, #tpu.memory_space<vmem>>[vector<16xi32>, vector<16xi32>], vector<16xf32>,
        %add3A_51 = arith.addf %gather3A_49, %gather3A_50 : vector<16xf32>
        %add3A_52 = arith.constant 1.000000e-16 : f32
        %add3A_53 = vector.broadcast %add3A_52 : f32 to vector<16xf32>
        %add3A_54 = arith.addf %add3A_51, %add3A_53 : vector<16xf32>
        %div3A_55 = arith.divf %gather3A_48, %add3A_54 : vector<16xf32>
        tpu.vector_store_idx %arg10[%add3A_28, %broadcast_in_dim3A_47], %div3A_55 : memref<128x4xf32, #tpu.memory_space<vmem>>[vector<16xi32>, vector<16xi32>], vector<16xf32>,
        %broadcast_in_dim3A_56 = arith.constant 3 : i32
        %broadcast_in_dim3A_57 = vector.broadcast %broadcast_in_dim3A_56 : i32 to vector<16xi32>
        %gather3A_58 = tpu.vector_load_idx %arg7[%add3A_28, %broadcast_in_dim3A_57] : memref<128x4xf32, #tpu.memory_space<vmem>>[vector<16xi32>, vector<16xi32>], vector<16xf32>,
        %gather3A_59 = tpu.vector_load_idx %arg8[%add3A_28, %broadcast_in_dim3A_57] : memref<128x4xf32, #tpu.memory_space<vmem>>[vector<16xi32>, vector<16xi32>], vector<16xf32>,
        %gather3A_60 = tpu.vector_load_idx %arg9[%add3A_28, %broadcast_in_dim3A_57] : memref<128x4xf32, #tpu.memory_space<vmem>>[vector<16xi32>, vector<16xi32>], vector<16xf32>,
        %add3A_61 = arith.addf %gather3A_59, %gather3A_60 : vector<16xf32>
        %add3A_62 = arith.constant 1.000000e-16 : f32
        %add3A_63 = vector.broadcast %add3A_62 : f32 to vector<16xf32>
        %add3A_64 = arith.addf %add3A_61, %add3A_63 : vector<16xf32>
        %div3A_65 = arith.divf %gather3A_58, %add3A_64 : vector<16xf32>
        tpu.vector_store_idx %arg10[%add3A_28, %broadcast_in_dim3A_57], %div3A_65 : memref<128x4xf32, #tpu.memory_space<vmem>>[vector<16xi32>, vector<16xi32>], vector<16xf32>,
        %scan3A_66 = arith.constant 0 : i32
        scf.yield %scan3A_66 : i32
      }
      %scan3A_21 = arith.constant 8 : i32
      "tpu.region"() ({
        %run_scoped3A_23 = tpu.sem_alloc : memref<!tpu.dma_semaphore, #tpu.memory_space<semaphore_mem>>
        %dma_start3A = arith.constant 0 : i32
        %dma_start3A_24 = tpu.memref_slice %arg5[%add3A_13, %dma_start3A] : memref<331776x4xf32, #tpu.memory_space<hbm>> -> memref<128x4xf32, #tpu.memory_space<hbm>>
        %dma_start3A_25 = arith.constant 0 : i32
        %dma_start3A_26 = tpu.memref_slice %arg5[%add3A_13, %dma_start3A_25] : memref<331776x4xf32, #tpu.memory_space<hbm>> -> memref<128x4xf32, #tpu.memory_space<hbm>>
        tpu.enqueue_dma source(%arg10 : memref<128x4xf32, #tpu.memory_space<vmem>>) target(%dma_start3A_26 : memref<128x4xf32, #tpu.memory_space<hbm>>) target_semaphore(%run_scoped3A_23 : memref<!tpu.dma_semaphore, #tpu.memory_space<semaphore_mem>>)
        %dma_wait3A = arith.constant 0 : i32
        %dma_wait3A_27 = tpu.memref_slice %arg5[%add3A_13, %dma_wait3A] : memref<331776x4xf32, #tpu.memory_space<hbm>> -> memref<128x4xf32, #tpu.memory_space<hbm>>
        %dma_wait3A_28 = arith.constant 0 : i32
        %dma_wait3A_29 = tpu.memref_slice %arg5[%add3A_13, %dma_wait3A_28] : memref<331776x4xf32, #tpu.memory_space<hbm>> -> memref<128x4xf32, #tpu.memory_space<hbm>>
        tpu.wait_dma2 semaphore(%run_scoped3A_23 : memref<!tpu.dma_semaphore, #tpu.memory_space<semaphore_mem>>) src(%arg10 : memref<128x4xf32, #tpu.memory_space<vmem>>) dst(%dma_wait3A_29 : memref<128x4xf32, #tpu.memory_space<hbm>>)
        tpu.yield
      }) : () -> ()
      %scan3A_22 = arith.constant 0 : i32
      scf.yield %scan3A_22 : i32
    }
    %scan3A_8 = arith.constant 81 : i32
    return
  }
}

module attributes {stable_mosaic.version = 14 : i64} {
  func.func @_tc_tables_body(%arg0: memref<10000x128xf32, #tpu.memory_space<vmem>>, %arg1: memref<128x8xf32, #tpu.memory_space<vmem>>, %arg2: memref<1x8xf32, #tpu.memory_space<vmem>>, %arg3: memref<10240x8xf32, #tpu.memory_space<vmem>>) attributes {dimension_semantics = [], scalar_prefetch = 0 : i64, scratch_operands = 0 : i64, tpu.core_type = #tpu.core_type<tc>} {
    %get3A = arith.constant 0 : index
    %get3A_0 = arith.constant 0 : index
    %get3A_1 = vector.load %arg0[%get3A, %get3A_0] : memref<10000x128xf32, #tpu.memory_space<vmem>>, vector<10000x128xf32>
    %get3A_2 = arith.constant 0 : index
    %get3A_3 = arith.constant 0 : index
    %get3A_4 = vector.load %arg1[%get3A_2, %get3A_3] : memref<128x8xf32, #tpu.memory_space<vmem>>, vector<128x8xf32>
    %dot_general3A = arith.constant dense<0.000000e+00> : vector<10000x8xf32>
    %dot_general3A_5 = tpu.matmul %get3A_1, %get3A_4, %dot_general3A {dimension_numbers = #tpu.dot_dimension_numbers<[1], [0], [0], [1], [0, 0, 1, 1], [], []>, transpose_lhs_hint = false} : vector<10000x128xf32>, vector<128x8xf32>, vector<10000x8xf32> -> vector<10000x8xf32>
    %get3A_6 = arith.constant 0 : index
    %get3A_7 = arith.constant 0 : index
    %get3A_8 = vector.load %arg2[%get3A_6, %get3A_7] : memref<1x8xf32, #tpu.memory_space<vmem>>, vector<1x8xf32>
    %add3A = vector.broadcast %get3A_8 : vector<1x8xf32> to vector<10000x8xf32>
    %add3A_9 = arith.addf %dot_general3A_5, %add3A : vector<10000x8xf32>
    %swap3A = arith.constant 0 : index
    %swap3A_10 = arith.constant 0 : index
    %swap3A_11 = vector.load %arg3[%swap3A, %swap3A_10] : memref<10240x8xf32, #tpu.memory_space<vmem>>, vector<10000x8xf32>
    tpu.vector_store %arg3[%swap3A, %swap3A_10], %add3A_9 {strides = array<i32>} : memref<10240x8xf32, #tpu.memory_space<vmem>>, vector<10000x8xf32>,
    %broadcast_in_dim3A = arith.constant 0.000000e+00 : f32
    %broadcast_in_dim3A_12 = vector.broadcast %broadcast_in_dim3A : f32 to vector<240x8xf32>
    %swap3A_13 = arith.constant 10000 : index
    %swap3A_14 = arith.constant 0 : index
    %swap3A_15 = vector.load %arg3[%swap3A_13, %swap3A_14] : memref<10240x8xf32, #tpu.memory_space<vmem>>, vector<240x8xf32>
    tpu.vector_store %arg3[%swap3A_13, %swap3A_14], %broadcast_in_dim3A_12 {strides = array<i32>} : memref<10240x8xf32, #tpu.memory_space<vmem>>, vector<240x8xf32>,
    return
  }
}

</mosaic_0001>

<sc_bundles>
// kernel: kernel.10.cloned.1.call-start
scs
__scs_entry_jumppad:
0x0: {  	(pc) =	sbr.rel $0x88, $3  }
0x1: {  	(tag) =	ssettag $0x0;
	lr =	simm.s32 $0x1  }
0x2: {  	[smem:$0x3F9C] =	sst lr;
	_ =	strace $0xD0000000  }
0x3: {  	_ = 	snop  }
0x4: {  	_ = 	snop  }
0x5: {  	_ = 	snop  }
0x6: {  	_ = 	snop  }
0x7: {  	_ = 	snop  }
__scs_overlays_trampoline_lowered:
0x8: {  	[smem:$0x3FAB] =	sst s0  }
0x9: {  	[smem:$0x3FAC] =	sst s1  }
0xa: {  	[smem:$0x3FAD] =	sst s2  }
0xb: {  	[smem:$0x3FAE] =	sst s3  }
0xc: {  	[smem:$0x3FAF] =	sst s4  }
0xd: {  	[smem:$0x3FB0] =	sst s5  }
0xe: {  	[smem:$0x3FB1] =	sst s6  }
0xf: {  	[smem:$0x3FB2] =	sst s7  }
0x10: {  	[smem:$0x3FB3] =	sst s8  }
0x11: {  	[smem:$0x3FB4] =	sst s9;
	s0 =	simm.s32 @!p0 $0x0  }
0x12: {  	s1 =	sld [smem:$0x3F9A];
	s0 =	simm.s32 @p0 $0x1  }
0x13: {  	[smem:$0x3FB5] =	sst s0;
	s0 =	simm.s32 @!p1 $0x0  }
0x14: {  	s2 =	sld [smem:$0x3F99];
	s0 =	simm.s32 @p1 $0x1  }
0x15: {  	[smem:$0x3FB6] =	sst s0;
	s0 =	simm.s32 @!p2 $0x0  }
0x16: {  	s3 =	sld [smem:$0x3FDB];
	s0 =	simm.s32 @p2 $0x1  }
0x17: {  	s4 =	simm.s32 $0x1BF5;
	[smem:$0x3FB8] =	sst s0  }
0x18: {  	s0 =	sld [smem:$0x3F9B];
	_ =	swait.ge [sflag:s4], $0x0  }
0x19: {  	s7 =	sld [smem:$0x3F9C]  }
0x1a: {  	s8 =	sadd.s32 $0xFFFFE003, lr  }
0x1b: {  	s9 =	sadd.s32 $0xFFFFFEF7, lr;
	s5 =	simm.s32 $0xFFFFFFFF;
	p2 =	slt.u32 s8, $0xFFFFF086  }
0x1c: {  	p1 =	slt.u32 s9, $0xF7A;
	s5 =	simm.s32 @!p2 $0x0  }
0x1d: {  	s5 =	simm.s32 @p1 $0x1;
	p0 =	seq.s32 s7, s2  }
0x1e: {  	s7 =	smul.u32 @!p0 $0xF7A, s2;
	p2 =	seq.s32 @!p0 s5, $0x0  }
0x1f: {  	s9 =	smul.u32 $0xF7A, s1;
	s8 =	simm.s32 @!p0 $0x1BF5;
	p2 =	por !p2, p0  }
0x20: {  	[sflag:s8] =	ssyncset.s32 @!p0 $0xFFFFF086;
	s6 =	sadd.s32 @!p0 s3, s7;
	s7 =	simm.s32 @!p0 $0x108  }
0x21: {  	s3 =	sadd.s32 s3, s9;
	s6 =	sadd.s32 @!p0 $0x88, s6;
	s7 =	simm.s32 @p2 $0x1082  }
0x22: {  	[simem:s7], [sflag:s8] =	dma.local @!p0 [hbm:s6], $0xF7A  }
0x23: {  	s9 =	sor.u32 $0xD0000000, s2;
	s6 =	simm.s32 $0x108;
	_ =	swait.ge @!p0 [sflag:s8], $0x0  }
0x24: {  	s3 =	sadd.s32 $0x88, s3;
	s6 =	simm.s32 @!p1 $0x1082;
	[sflag:s4] =	ssyncset.s32 $0xFFFFF086  }
0x25: {  	[simem:s6], [sflag:s4] =	dma.local [hbm:s3], $0xF7A  }
0x26: {  	[smem:$0x3F9C] =	sst s1;
	(tag) =	ssettag s2;
	_ =	strace s9  }
0x27: {  	s1 =	sld [smem:$0x3FAC]  }
0x28: {  	s2 =	sld [smem:$0x3FAD]  }
0x29: {  	s4 =	sld [smem:$0x3FAF]  }
0x2a: {  	p0 =	seq.s32 s5, $0x0;
	s5 =	sld [smem:$0x3FB0]  }
0x2b: {  	s6 =	sld [smem:$0x3FB1]  }
0x2c: {  	s7 =	sld [smem:$0x3FB2]  }
0x2d: {  	s3 =	simm.s32 $0x108;
	s8 =	sld [smem:$0x3FB3]  }
0x2e: {  	s3 =	simm.s32 @!p0 $0x1082;
	s9 =	sld [smem:$0x3FB4]  }
0x2f: {  	lr =	sadd.s32 s0, s3;
	s0 =	sld [smem:$0x3FAB]  }
0x30: {  	s3 =	sld [smem:$0x3FAE]  }
0x31: {  	[smem:$0x3FB7] =	sst s10  }
0x32: {  	s10 =	sld [smem:$0x3FB5];
	_ =	sdelay $0x3  }
0x33: {  	p0 =	seq.s32 s10, $0x1;
	s10 =	sld [smem:$0x3FB7];
	_ =	sdelay $0x3  }
0x34: {  	[smem:$0x3FB7] =	sst s10  }
0x35: {  	s10 =	sld [smem:$0x3FB6];
	_ =	sdelay $0x3  }
0x36: {  	p1 =	seq.s32 s10, $0x1;
	s10 =	sld [smem:$0x3FB7];
	_ =	sdelay $0x3  }
0x37: {  	[smem:$0x3FB7] =	sst s10  }
0x38: {  	s10 =	sld [smem:$0x3FB8]  }
0x39: {  	_ = 	snop;
	(pc) =	sbr.ind lr, $3  }
0x3a: {  	_ = 	snop  }
0x3b: {  	_ = 	snop  }
0x3c: {  	p2 =	seq.s32 s10, $0x1;
	s10 =	sld [smem:$0x3FB7]  }
0x3d: {  	_ =	shalt  }
0x3e: {  	_ =	shalt  }
0x3f: {  	_ =	shalt  }
0x40: {  	_ =	shalt  }
0x41: {  	_ =	shalt  }
0x42: {  	_ =	shalt  }
0x43: {  	_ =	shalt  }
0x44: {  	_ =	shalt  }
0x45: {  	_ =	shalt  }
0x46: {  	_ =	shalt  }
0x47: {  	_ =	shalt  }
0x48: {  	_ =	shalt  }
0x49: {  	_ =	shalt  }
0x4a: {  	_ =	shalt  }
0x4b: {  	_ =	shalt  }
0x4c: {  	_ =	shalt  }
0x4d: {  	_ =	shalt  }
0x4e: {  	_ =	shalt  }
0x4f: {  	_ =	shalt  }
0x50: {  	_ =	shalt  }
0x51: {  	_ =	shalt  }
0x52: {  	_ =	shalt  }
0x53: {  	_ =	shalt  }
0x54: {  	_ =	shalt  }
0x55: {  	_ =	shalt  }
0x56: {  	_ =	shalt  }
0x57: {  	_ =	shalt  }
0x58: {  	_ =	shalt  }
0x59: {  	_ =	shalt  }
0x5a: {  	_ =	shalt  }
0x5b: {  	_ =	shalt  }
0x5c: {  	_ =	shalt  }
0x5d: {  	_ =	shalt  }
0x5e: {  	_ =	shalt  }
0x5f: {  	_ =	shalt  }
0x60: {  	_ =	shalt  }
0x61: {  	_ =	shalt  }
0x62: {  	_ =	shalt  }
0x63: {  	_ =	shalt  }
0x64: {  	_ =	shalt  }
0x65: {  	_ =	shalt  }
0x66: {  	_ =	shalt  }
0x67: {  	_ =	shalt  }
0x68: {  	_ =	shalt  }
0x69: {  	_ =	shalt  }
0x6a: {  	_ =	shalt  }
0x6b: {  	_ =	shalt  }
0x6c: {  	_ =	shalt  }
0x6d: {  	_ =	shalt  }
0x6e: {  	_ =	shalt  }
0x6f: {  	_ =	shalt  }
0x70: {  	_ =	shalt  }
0x71: {  	_ =	shalt  }
0x72: {  	_ =	shalt  }
0x73: {  	_ =	shalt  }
0x74: {  	_ =	shalt  }
0x75: {  	_ =	shalt  }
0x76: {  	_ =	shalt  }
0x77: {  	_ =	shalt  }
0x78: {  	_ =	shalt  }
0x79: {  	_ =	shalt  }
0x7a: {  	_ =	shalt  }
0x7b: {  	_ =	shalt  }
0x7c: {  	_ =	shalt  }
0x7d: {  	_ =	shalt  }
0x7e: {  	_ =	shalt  }
0x7f: {  	_ =	shalt  }
0x80: {  	_ =	shalt  }
0x81: {  	_ =	shalt  }
0x82: {  	_ =	shalt  }
0x83: {  	_ =	shalt  }
0x84: {  	_ =	shalt  }
0x85: {  	_ =	shalt  }
0x86: {  	_ =	shalt  }
0x87: {  	_ =	shalt  }
.Lfunc_end0:
.L_simem_size_0:
called_computation.1_lowered:
.L_overlay_start_0:
0x88: {  	s2 =	sld [smem:$0x3FD9]  }
0x89: {  	s3 =	sld [smem:$0x3FFE];
	_ =	sdelay $0x1  }
0x8a: {  	s1 =	srdreg.scid  }
0x8b: {  	s0 =	sand.u32 $0x1, s1  }
0x8c: {  	s14 =	sshll.u32 s0, $0xA;
	s2 =	sadd.s32 s3, s2  }
0x8d: {  	s2 =	sadd.s32 s2, s14  }
0x8e: {  	[smem:$0x3FC3] =	sst s2  }
0x8f: {  	_ = 	snop  }
0x90: {  	s2 =	sld [smem:$0x3FD0];
	_ =	sdelay $0x2  }
0x91: {  	s15 =	simm.s32 $0xA;
	s4 =	simm.s32 $0x10  }
0x92: {  	[smem:s4], [sflag:s15] =	dma.local [hbm:s2], $0x1  }
0x93: {  	_ =	swait.eq [sflag:s15], $0x1  }
0x94: {  	[sflag:s15] =	ssyncset.done $0x0  }
0x95: {  	[sflag:s15] =	ssyncadd.s32 $0xFFFFFFFF  }
0x96: {  	s16 =	sld [smem:$0x10];
	(tm) =	ssettm $0x1  }
0x97: {  	s17 =	sld [smem:$0x3FFB];
	_ =	sdelay $0x3  }
0x98: {  	_ =	strace s17  }
0x99: {  	s3 =	sld [smem:$0x3FFC];
	_ =	sdelay $0x3  }
0x9a: {  	_ =	strace s3  }
0x9b: {  	s3 =	sld [smem:$0x3FFD];
	_ =	sdelay $0x3  }
0x9c: {  	_ =	strace s3  }
0x9d: {  	_ =	strace $0x8FFFFFFF  }
0x9e: {  	s18 =	sld [smem:$0x3FDB];
	_ =	sdelay $0x1  }
0x9f: {  	s19 =	simm.s32 $_scs_section_size  }
0xa0: {  	s5 =	simm.s32 $_size__tile_overlayer_lowered;
	s6 =	simm.s32 $_tile_overlayer_lowered  }
0xa1: {  	s22 =	simm.s32 $0x1BFF;
	s21 =	sshll.u32 s6, $0x1;
	s3 =	sadd.s32 s19, s18  }
0xa2: {  	s7 =	simm.s32 $0x0;
	s20 =	sshll.u32 s5, $0x1;
	s5 =	sadd.s32 s21, s3  }
0xa3: {  	[timem:s7], [sflag:s22] =	dma.local [hbm:s5], s20  }
0xa4: {  	_ =	swait.ge [sflag:s22], s20  }
0xa5: {  	s4 =	ssub.s32 $0x0, s20;
	[sflag:s22] =	ssyncset.done $0x0  }
0xa6: {  	[sflag:s22] =	ssyncadd.s32 s4;
	_ =	sdelay $0x1  }
0xa7: {  	s23 =	simm.s32 $0x1B8B  }
0xa8: {  	_ =	swait.ge [sflag:s23], $0x1  }
0xa9: {  	[sflag:s23] =	ssyncset.done $0x0  }
0xaa: {  	s25 =	simm.s32 $0x1B8E;
	s24 =	sld [smem:$0x3FFE];
	[sflag:s23] =	ssyncadd.s32 $0xFFFFFFFF  }
0xab: {  	s26 =	simm.s32 $execute0_lowered;
	[smem:$0x3FD2] =	sst s25  }
0xac: {  	s5 =	sshll.u32 s26, $0x1;
	_ =	strace $0x80000049;
	[dreg:$0x1] =	wrdreg $0xFFFFFFFF  }
0xad: {  	s28 =	simm.s32 $_size_execute0_lowered;
	s3 =	sadd.s32 s3, s5;
	[dreg:$0x0] =	wrdreg $0x0  }
0xae: {  	s5 =	sshll.u32 s28, $0x1;
	[dreg:$0x2] =	wrdreg s3  }
0xaf: {  	[dreg:$0x3] =	wrdreg s5  }
0xb0: {  	[dreg:$0x4] =	wrdreg $0xC0  }
0xb1: {  	_ =	task [dreg:s7], $0x5FFFF  }
0xb2: {  	[dreg:$0x1] =	wrdreg $0xFFFFFFFF  }
0xb3: {  	[dreg:$0x0] =	wrdreg $0x60  }
0xb4: {  	[dreg:$0x2] =	wrdreg s16  }
0xb5: {  	[dreg:$0x3] =	wrdreg s24  }
0xb6: {  	[dreg:$0x4] =	wrdreg $0x9  }
0xb7: {  	_ =	task.clear_ibuf [dreg:s7], $0x5FFFF;
	_ =	strace $0x90000049  }
0xb8: {  	s29 =	simm.s32 $0x9;
	_ =	strace $0x8000004B  }
0xb9: {  	_ =	swait.ge [sflag:s29], $0x1  }
0xba: {  	[sflag:s29] =	ssyncadd.s32 $0xFFFFFFFF  }
0xbb: {  	_ =	strace $0x9000004B  }
0xbc: {  	_ =	sfence  }
0xbd: {  	s30 =	sld [smem:$0x0];
	_ =	sdelay $0x2  }
0xbe: {  	s31 =	sshll.u32 s1, $0xD;
	s1 =	sshrl.u32 s1, $0x2  }
0xbf: {  	s3 =	sand.u32 $0x4000, s31;
	s1 =	sadd.s32 s1, s30  }
0xc0: {  	s0 =	sor.u32 s3, s0;
	s1 =	sshll.u32 s1, $0x11  }
0xc1: {  	s0 =	sor.u32 s1, s0  }
0xc2: {  	s0 =	sadd.s32 $0x8F2B, s0  }
0xc3: {  	[sflag:s0] =	ssyncadd.remote.s32 $0x1  }
0xc4: {  	_ =	sfence.sel $0xFFFF  }
0xc5: {  	[dreg:$0x0] =	wrdreg $0xFFFFFFFF;
	(pc) =	sbr.abs _section_cstart, $3  }
0xc6: {  	[dreg:$0x1] =	wrdreg $0xFFFFFFFF  }
0xc7: {  	_ =	task.clear_ibuf [dreg:s7], $0x2FFFF;
	_ =	strace $0x9FFFFFFF  }
0xc8: {  	(tm) =	ssettm $0x7FFFFFFF  }
0xc9: {  	_ =	shalt  }
tec
execute0_lowered:
.L_overlay_start_1:
0x0: {  	(tag) =	ssettag $0x1  }
0x1: {  	s1 =	stileid.u32  }
0x2: {  	p0 =	sgt.u32 s1, $0x7  }
.Ltmp0:
0x3: {  	_ = 	snop;
	(pc) =	sbr.rel @p0 .LBB2_7-.Ltmp0, $4  }
0x4: {  	s2 =	rddreg [dreg:$0x0]  }
0x5: {  	s5 =	rddreg [dreg:$0x1];
	s3 =	simm.s32 $0x0  }
0x6: {  	[smem:$0x7FF] =	sst s3  }
0x7: {  	s0 =	rddreg [dreg:$0x2];
	_ =	strace $0x8000004A  }
0x8: {  	s4 =	srdreg.scid  }
0x9: {  	s31 =	sshll.u32 s1, $0x1;
	s6 =	sand.u32 $0x1, s4  }
0xa: {  	s4 =	sor.u32 s6, s31  }
0xb: {  	s4 =	smul.u32 $0xA00, s4  }
0xc: {  	s9 =	simm.s32 $0x1;
	s6 =	ssub.s32 $0x2, s6  }
0xd: {  	s10 =	simm.s32 $0x0;
	s8 =	sshrl.u32 s6, $0x1;
	s7 =	sshrl.u32 s4, $0x3  }
0xe: {  	s8 =	ssub.s32 s6, s8;
	s5 =	sadd.s32 s7, s5;
	s6 =	sadd.s32 s2, s7  }
0xf: {  	s7 =	smax.u32 s8, $0x1;
	s8 =	simm.s32 $0xA00;
	s5 =	sadd.s32 $0x18400, s5  }
.LBB2_2:
0x10: {  	[tilespmem:s3], [sflag:$0x1] =	stream.linear.gather [hbm4b:s6+s3], $0xA00, $0x38;
	[tilespmem:$0x1400] =	vst v63  }
0x11: {  	_ =	swait.ge [sflag:s9], $0xA00  }
0x12: {  	[sflag:s9] =	ssyncset.done $0x0  }
0x13: {  	s11 =	simm.s32 $0x1;
	[sflag:s9] =	ssyncadd.s32 $0xFFFFF600  }
.LBB2_3:
0x14: {  	s12 =	smul.u32 $0xA000, s11;
	_ =	sdelay $0x1  }
0x15: {  	s12 =	sadd.s32 s4, s12  }
0x16: {  	s12 =	sshrl.u32 s12, $0x3  }
0x17: {  	s13 =	simm.s32 $0x0;
	s12 =	sadd.s32 s2, s12  }
0x18: {  	[tilespmem:s8], [sflag:$0x1] =	stream.linear.gather [hbm4b:s12+s13], $0xA00, $0x38;
	[tilespmem:$0x1400] =	vst v63  }
0x19: {  	_ =	swait.ge [sflag:s9], $0xA00  }
0x1a: {  	[sflag:s9] =	ssyncset.done $0x0  }
0x1b: {  	s12 =	simm.s32 $0x0;
	[sflag:s9] =	ssyncadd.s32 $0xFFFFF600  }
0x1c: {  	s13 =	simm.s32 $0x40;
	v0 =	vld [tilespmem:s12+$0xA00]  }
.LBB2_4:
0x1d: {  	p0 =	sne.s32 s13, $0x27C0;
	v1 =	vld [tilespmem:s12+$0x0];
	_ =	sdelay $0x1  }
.Ltmp1:
0x1e: {  	(pc) =	sbr.rel @p0 .LBB2_4-.Ltmp1, $3  }
0x1f: {  	_ =	sdelay $0x1  }
0x20: {  	s14 =	sshra.s32 s13, $0x2;
	v1 =	vmax.f32 v1, v0  }
0x21: {  	s13 =	sadd.s32 $0x40, s13;
	v0 =	vld [tilespmem:s14+$0xA00];
	[tilespmem:s12+$0x0] =	vst v1;
	s12 =	smov.u32 s14  }
0x22: {  	v1 =	vld [tilespmem:s12+$0x0];
	s11 =	sadd.s32 $0x1, s11  }
0x23: {  	p0 =	sne.s32 s11, $0x20  }
.Ltmp2:
0x24: {  	_ = 	snop;
	(pc) =	sbr.rel @p0 .LBB2_3-.Ltmp2, $3  }
0x25: {  	_ =	sdelay $0x1  }
0x26: {  	v0 =	vmax.f32 v1, v0  }
0x27: {  	[tilespmem:s12+$0x0] =	vst v0  }
0x28: {  	s10 =	sadd.s32 $0x1, s10  }
0x29: {  	p0 =	sne.s32 s10, s7  }
.Ltmp3:
0x2a: {  	_ = 	snop;
	(pc) =	sbr.rel @p0 .LBB2_2-.Ltmp3, $4  }
0x2b: {  	[hbm4b:s5+s3] =	stream.linear.scatter [tilespmem:s3], [sflag:$0x1], $0xA00, $0x38;
	[tilespmem:$0x1400] =	vst v63  }
0x2c: {  	_ =	swait.ge [sflag:s9], $0xA00  }
0x2d: {  	[sflag:s9] =	ssyncset.done $0x0  }
0x2e: {  	[sflag:s9] =	ssyncadd.s32 $0xFFFFF600  }
.LBB2_7:
0x2f: {  	_ =	sfence.sel $0x180000  }
0x30: {  	[bflag:$0x0] =	sbarrier.arrive $0xFFFF  }
0x31: {  	p0 =	sne.s32 s1, $0x0;
	_ =	strace $0x9000004A  }
0x32: {  	s0 =	sadd.s32 @!p0 $0x100000, s0;
	[bflag:$0x2] =	sbarrier.arrive $0xFFFF  }
0x33: {  	[sflag:s0] =	ssyncadd.tile.s32 @!p0 $0x1;
	_ =	shalt  }
.Lfunc_end2:
_tile_overlayer_lowered:
.L_overlay_start_2:
0x34: {  	(tag) =	ssettag $0x2  }
0x35: {  	s0 =	rddreg [dreg:$0x0];
	s2 =	stileid.u32  }
0x36: {  	s1 =	rddreg [dreg:$0x1];
	p0 =	sne.s32 s2, $0x0  }
0x37: {  	s3 =	rddreg [dreg:$0x2];
	[bflag:$0x3] =	sbarrier.arrive $0xFFFF;
	s2 =	simm.s32 @!p0 $0x1C01  }
0x38: {  	[timem:s3], [sflag:s2] =	dma.local @!p0 [hbm:s0], s1  }
0x39: {  	s0 =	simm.s32 @!p0 $0x1  }
0x3a: {  	_ =	swait.ge @!p0 [sflag:s0], s1  }
0x3b: {  	s1 =	ssub.s32 @!p0 $0x0, s1;
	[sflag:s0] =	ssyncset.done @!p0 $0x0  }
0x3c: {  	[sflag:s0] =	ssyncadd.s32 @!p0 s1  }
0x3d: {  	[bflag:$0x3] =	sbarrier.arrive $0xFFFF  }
0x3e: {  	_ =	shalt  }

// kernel: kernel.13.cloned.1.call-start
scs
__scs_entry_jumppad:
0x0: {  	(pc) =	sbr.rel $0x88, $3  }
0x1: {  	(tag) =	ssettag $0x0;
	lr =	simm.s32 $0x1  }
0x2: {  	[smem:$0x3F9C] =	sst lr;
	_ =	strace $0xD0000000  }
0x3: {  	_ = 	snop  }
0x4: {  	_ = 	snop  }
0x5: {  	_ = 	snop  }
0x6: {  	_ = 	snop  }
0x7: {  	_ = 	snop  }
__scs_overlays_trampoline_lowered:
0x8: {  	[smem:$0x3FAB] =	sst s0  }
0x9: {  	[smem:$0x3FAC] =	sst s1  }
0xa: {  	[smem:$0x3FAD] =	sst s2  }
0xb: {  	[smem:$0x3FAE] =	sst s3  }
0xc: {  	[smem:$0x3FAF] =	sst s4  }
0xd: {  	[smem:$0x3FB0] =	sst s5  }
0xe: {  	[smem:$0x3FB1] =	sst s6  }
0xf: {  	[smem:$0x3FB2] =	sst s7  }
0x10: {  	[smem:$0x3FB3] =	sst s8  }
0x11: {  	[smem:$0x3FB4] =	sst s9;
	s0 =	simm.s32 @!p0 $0x0  }
0x12: {  	s1 =	sld [smem:$0x3F9A];
	s0 =	simm.s32 @p0 $0x1  }
0x13: {  	[smem:$0x3FB5] =	sst s0;
	s0 =	simm.s32 @!p1 $0x0  }
0x14: {  	s2 =	sld [smem:$0x3F99];
	s0 =	simm.s32 @p1 $0x1  }
0x15: {  	[smem:$0x3FB6] =	sst s0;
	s0 =	simm.s32 @!p2 $0x0  }
0x16: {  	s3 =	sld [smem:$0x3FDB];
	s0 =	simm.s32 @p2 $0x1  }
0x17: {  	s4 =	simm.s32 $0x1BF5;
	[smem:$0x3FB8] =	sst s0  }
0x18: {  	s0 =	sld [smem:$0x3F9B];
	_ =	swait.ge [sflag:s4], $0x0  }
0x19: {  	s7 =	sld [smem:$0x3F9C]  }
0x1a: {  	s8 =	sadd.s32 $0xFFFFE003, lr  }
0x1b: {  	s9 =	sadd.s32 $0xFFFFFEF7, lr;
	s5 =	simm.s32 $0xFFFFFFFF;
	p2 =	slt.u32 s8, $0xFFFFF086  }
0x1c: {  	p1 =	slt.u32 s9, $0xF7A;
	s5 =	simm.s32 @!p2 $0x0  }
0x1d: {  	s5 =	simm.s32 @p1 $0x1;
	p0 =	seq.s32 s7, s2  }
0x1e: {  	s7 =	smul.u32 @!p0 $0xF7A, s2;
	p2 =	seq.s32 @!p0 s5, $0x0  }
0x1f: {  	s9 =	smul.u32 $0xF7A, s1;
	s8 =	simm.s32 @!p0 $0x1BF5;
	p2 =	por !p2, p0  }
0x20: {  	[sflag:s8] =	ssyncset.s32 @!p0 $0xFFFFF086;
	s6 =	sadd.s32 @!p0 s3, s7;
	s7 =	simm.s32 @!p0 $0x108  }
0x21: {  	s3 =	sadd.s32 s3, s9;
	s6 =	sadd.s32 @!p0 $0x88, s6;
	s7 =	simm.s32 @p2 $0x1082  }
0x22: {  	[simem:s7], [sflag:s8] =	dma.local @!p0 [hbm:s6], $0xF7A  }
0x23: {  	s9 =	sor.u32 $0xD0000000, s2;
	s6 =	simm.s32 $0x108;
	_ =	swait.ge @!p0 [sflag:s8], $0x0  }
0x24: {  	s3 =	sadd.s32 $0x88, s3;
	s6 =	simm.s32 @!p1 $0x1082;
	[sflag:s4] =	ssyncset.s32 $0xFFFFF086  }
0x25: {  	[simem:s6], [sflag:s4] =	dma.local [hbm:s3], $0xF7A  }
0x26: {  	[smem:$0x3F9C] =	sst s1;
	(tag) =	ssettag s2;
	_ =	strace s9  }
0x27: {  	s1 =	sld [smem:$0x3FAC]  }
0x28: {  	s2 =	sld [smem:$0x3FAD]  }
0x29: {  	s4 =	sld [smem:$0x3FAF]  }
0x2a: {  	p0 =	seq.s32 s5, $0x0;
	s5 =	sld [smem:$0x3FB0]  }
0x2b: {  	s6 =	sld [smem:$0x3FB1]  }
0x2c: {  	s7 =	sld [smem:$0x3FB2]  }
0x2d: {  	s3 =	simm.s32 $0x108;
	s8 =	sld [smem:$0x3FB3]  }
0x2e: {  	s3 =	simm.s32 @!p0 $0x1082;
	s9 =	sld [smem:$0x3FB4]  }
0x2f: {  	lr =	sadd.s32 s0, s3;
	s0 =	sld [smem:$0x3FAB]  }
0x30: {  	s3 =	sld [smem:$0x3FAE]  }
0x31: {  	[smem:$0x3FB7] =	sst s10  }
0x32: {  	s10 =	sld [smem:$0x3FB5];
	_ =	sdelay $0x3  }
0x33: {  	p0 =	seq.s32 s10, $0x1;
	s10 =	sld [smem:$0x3FB7];
	_ =	sdelay $0x3  }
0x34: {  	[smem:$0x3FB7] =	sst s10  }
0x35: {  	s10 =	sld [smem:$0x3FB6];
	_ =	sdelay $0x3  }
0x36: {  	p1 =	seq.s32 s10, $0x1;
	s10 =	sld [smem:$0x3FB7];
	_ =	sdelay $0x3  }
0x37: {  	[smem:$0x3FB7] =	sst s10  }
0x38: {  	s10 =	sld [smem:$0x3FB8]  }
0x39: {  	_ = 	snop;
	(pc) =	sbr.ind lr, $3  }
0x3a: {  	_ = 	snop  }
0x3b: {  	_ = 	snop  }
0x3c: {  	p2 =	seq.s32 s10, $0x1;
	s10 =	sld [smem:$0x3FB7]  }
0x3d: {  	_ =	shalt  }
0x3e: {  	_ =	shalt  }
0x3f: {  	_ =	shalt  }
0x40: {  	_ =	shalt  }
0x41: {  	_ =	shalt  }
0x42: {  	_ =	shalt  }
0x43: {  	_ =	shalt  }
0x44: {  	_ =	shalt  }
0x45: {  	_ =	shalt  }
0x46: {  	_ =	shalt  }
0x47: {  	_ =	shalt  }
0x48: {  	_ =	shalt  }
0x49: {  	_ =	shalt  }
0x4a: {  	_ =	shalt  }
0x4b: {  	_ =	shalt  }
0x4c: {  	_ =	shalt  }
0x4d: {  	_ =	shalt  }
0x4e: {  	_ =	shalt  }
0x4f: {  	_ =	shalt  }
0x50: {  	_ =	shalt  }
0x51: {  	_ =	shalt  }
0x52: {  	_ =	shalt  }
0x53: {  	_ =	shalt  }
0x54: {  	_ =	shalt  }
0x55: {  	_ =	shalt  }
0x56: {  	_ =	shalt  }
0x57: {  	_ =	shalt  }
0x58: {  	_ =	shalt  }
0x59: {  	_ =	shalt  }
0x5a: {  	_ =	shalt  }
0x5b: {  	_ =	shalt  }
0x5c: {  	_ =	shalt  }
0x5d: {  	_ =	shalt  }
0x5e: {  	_ =	shalt  }
0x5f: {  	_ =	shalt  }
0x60: {  	_ =	shalt  }
0x61: {  	_ =	shalt  }
0x62: {  	_ =	shalt  }
0x63: {  	_ =	shalt  }
0x64: {  	_ =	shalt  }
0x65: {  	_ =	shalt  }
0x66: {  	_ =	shalt  }
0x67: {  	_ =	shalt  }
0x68: {  	_ =	shalt  }
0x69: {  	_ =	shalt  }
0x6a: {  	_ =	shalt  }
0x6b: {  	_ =	shalt  }
0x6c: {  	_ =	shalt  }
0x6d: {  	_ =	shalt  }
0x6e: {  	_ =	shalt  }
0x6f: {  	_ =	shalt  }
0x70: {  	_ =	shalt  }
0x71: {  	_ =	shalt  }
0x72: {  	_ =	shalt  }
0x73: {  	_ =	shalt  }
0x74: {  	_ =	shalt  }
0x75: {  	_ =	shalt  }
0x76: {  	_ =	shalt  }
0x77: {  	_ =	shalt  }
0x78: {  	_ =	shalt  }
0x79: {  	_ =	shalt  }
0x7a: {  	_ =	shalt  }
0x7b: {  	_ =	shalt  }
0x7c: {  	_ =	shalt  }
0x7d: {  	_ =	shalt  }
0x7e: {  	_ =	shalt  }
0x7f: {  	_ =	shalt  }
0x80: {  	_ =	shalt  }
0x81: {  	_ =	shalt  }
0x82: {  	_ =	shalt  }
0x83: {  	_ =	shalt  }
0x84: {  	_ =	shalt  }
0x85: {  	_ =	shalt  }
0x86: {  	_ =	shalt  }
0x87: {  	_ =	shalt  }
.Lfunc_end0:
.L_simem_size_0:
called_computation.2_lowered:
.L_overlay_start_0:
0x88: {  	s2 =	sld [smem:$0x3FD9]  }
0x89: {  	s3 =	sld [smem:$0x3FFE];
	_ =	sdelay $0x1  }
0x8a: {  	s1 =	srdreg.scid  }
0x8b: {  	s0 =	sand.u32 $0x1, s1  }
0x8c: {  	s14 =	sshll.u32 s0, $0xA;
	s2 =	sadd.s32 s3, s2  }
0x8d: {  	s2 =	sadd.s32 s2, s14  }
0x8e: {  	[smem:$0x3FC3] =	sst s2  }
0x8f: {  	_ = 	snop  }
0x90: {  	s2 =	sld [smem:$0x3FD0];
	_ =	sdelay $0x2  }
0x91: {  	s15 =	simm.s32 $0xA;
	s4 =	simm.s32 $0x10  }
0x92: {  	[smem:s4], [sflag:s15] =	dma.local [hbm:s2], $0x1  }
0x93: {  	_ =	swait.eq [sflag:s15], $0x1  }
0x94: {  	[sflag:s15] =	ssyncset.done $0x0  }
0x95: {  	s16 =	sld [smem:$0x10];
	[sflag:s15] =	ssyncadd.s32 $0xFFFFFFFF  }
0x96: {  	s17 =	sld [smem:$0x11];
	(tm) =	ssettm $0x1  }
0x97: {  	s18 =	sld [smem:$0x3FFB];
	_ =	sdelay $0x3  }
0x98: {  	_ =	strace s18  }
0x99: {  	s4 =	sld [smem:$0x3FFC];
	_ =	sdelay $0x3  }
0x9a: {  	_ =	strace s4  }
0x9b: {  	s4 =	sld [smem:$0x3FFD];
	_ =	sdelay $0x3  }
0x9c: {  	_ =	strace s4  }
0x9d: {  	_ =	strace $0x8FFFFFFF  }
0x9e: {  	s19 =	sld [smem:$0x3FDB];
	_ =	sdelay $0x1  }
0x9f: {  	s5 =	simm.s32 $_scs_section_size  }
0xa0: {  	s6 =	simm.s32 $_size__tile_overlayer_lowered;
	s7 =	simm.s32 $_tile_overlayer_lowered  }
0xa1: {  	s22 =	simm.s32 $0x1BFF;
	s21 =	sshll.u32 s7, $0x1;
	s4 =	sadd.s32 s5, s19  }
0xa2: {  	s8 =	simm.s32 $0x0;
	s20 =	sshll.u32 s6, $0x1;
	s6 =	sadd.s32 s21, s4  }
0xa3: {  	[timem:s8], [sflag:s22] =	dma.local [hbm:s6], s20  }
0xa4: {  	_ =	swait.ge [sflag:s22], s20  }
0xa5: {  	s5 =	ssub.s32 $0x0, s20;
	[sflag:s22] =	ssyncset.done $0x0  }
0xa6: {  	[sflag:s22] =	ssyncadd.s32 s5;
	_ =	sdelay $0x1  }
0xa7: {  	s23 =	simm.s32 $0x1B8B  }
0xa8: {  	_ =	swait.ge [sflag:s23], $0x1  }
0xa9: {  	[sflag:s23] =	ssyncset.done $0x0  }
0xaa: {  	s25 =	simm.s32 $0x1B8E;
	s24 =	sld [smem:$0x3FFE];
	[sflag:s23] =	ssyncadd.s32 $0xFFFFFFFF  }
0xab: {  	s26 =	simm.s32 $execute0_lowered;
	[smem:$0x3FD2] =	sst s25  }
0xac: {  	s6 =	sshll.u32 s26, $0x1;
	_ =	strace $0x8000004C;
	[dreg:$0x1] =	wrdreg $0xFFFFFFFF  }
0xad: {  	s28 =	simm.s32 $_size_execute0_lowered;
	s4 =	sadd.s32 s4, s6;
	[dreg:$0x0] =	wrdreg $0x0  }
0xae: {  	s6 =	sshll.u32 s28, $0x1;
	[dreg:$0x2] =	wrdreg s4  }
0xaf: {  	[dreg:$0x3] =	wrdreg s6  }
0xb0: {  	[dreg:$0x4] =	wrdreg $0xC0  }
0xb1: {  	_ =	task [dreg:s8], $0x5FFFF  }
0xb2: {  	[dreg:$0x1] =	wrdreg $0xFFFFFFFF  }
0xb3: {  	[dreg:$0x0] =	wrdreg $0x60  }
0xb4: {  	[dreg:$0x2] =	wrdreg s24  }
0xb5: {  	[dreg:$0x3] =	wrdreg s17  }
0xb6: {  	[dreg:$0x4] =	wrdreg s16  }
0xb7: {  	[dreg:$0x5] =	wrdreg $0x11800  }
0xb8: {  	[dreg:$0x6] =	wrdreg $0x9  }
0xb9: {  	_ =	task.clear_ibuf [dreg:s8], $0x7FFFF;
	_ =	strace $0x9000004C  }
0xba: {  	s29 =	simm.s32 $0x9;
	_ =	strace $0x8000004E  }
0xbb: {  	_ =	swait.ge [sflag:s29], $0x1  }
0xbc: {  	[sflag:s29] =	ssyncadd.s32 $0xFFFFFFFF  }
0xbd: {  	_ =	strace $0x9000004E  }
0xbe: {  	_ =	sfence  }
0xbf: {  	s30 =	sld [smem:$0x0];
	_ =	sdelay $0x2  }
0xc0: {  	s31 =	sshll.u32 s1, $0xD;
	s1 =	sshrl.u32 s1, $0x2  }
0xc1: {  	s3 =	sand.u32 $0x4000, s31;
	s1 =	sadd.s32 s1, s30  }
0xc2: {  	s0 =	sor.u32 s3, s0;
	s1 =	sshll.u32 s1, $0x11  }
0xc3: {  	s0 =	sor.u32 s1, s0  }
0xc4: {  	s0 =	sadd.s32 $0x8F2B, s0  }
0xc5: {  	[sflag:s0] =	ssyncadd.remote.s32 $0x1  }
0xc6: {  	_ =	sfence.sel $0xFFFF  }
0xc7: {  	[dreg:$0x0] =	wrdreg $0xFFFFFFFF;
	(pc) =	sbr.abs _section_cstart, $3  }
0xc8: {  	[dreg:$0x1] =	wrdreg $0xFFFFFFFF  }
0xc9: {  	_ =	task.clear_ibuf [dreg:s8], $0x2FFFF;
	_ =	strace $0x9FFFFFFF  }
0xca: {  	(tm) =	ssettm $0x7FFFFFFF  }
0xcb: {  	_ =	shalt  }
tec
execute0_lowered:
.L_overlay_start_1:
0x0: {  	(tag) =	ssettag $0x1  }
0x1: {  	s8 =	rddreg [dreg:$0x0]  }
0x2: {  	s1 =	rddreg [dreg:$0x1]  }
0x3: {  	s12 =	rddreg [dreg:$0x2]  }
0x4: {  	s2 =	rddreg [dreg:$0x3]  }
0x5: {  	s0 =	rddreg [dreg:$0x4];
	s3 =	simm.s32 $0x0  }
0x6: {  	s20 =	stileid.u32;
	s7 =	srdreg.scid;
	s18 =	simm.s32 $0x580  }
0x7: {  	s19 =	simm.s32 $0x980;
	s22 =	simm.s32 $0x0;
	[smem:$0x7FF] =	sst s3  }
0x8: {  	s4 =	sadd.s32 $0x1800, s8;
	s9 =	smul.u32 $0x1400, s20;
	s5 =	sadd.s32 $0xE200, s8  }
0x9: {  	s6 =	sadd.s32 $0xBA00, s8;
	s10 =	sand.u32 $0x1, s7;
	s7 =	sadd.s32 $0x1C000, s8  }
0xa: {  	s31 =	sshll.u32 s20, $0x1;
	s16 =	sshll.u32 s20, $0x6;
	p0 =	sne.s32 s20, $0x0  }
0xb: {  	s20 =	simm.s32 $0xD80;
	_ =	strace $0x8000004D;
	s13 =	ssub.s32 $0x2, s10  }
0xc: {  	s15 =	sor.u32 s10, s31;
	s17 =	smul.u32 $0x2800, s10;
	s10 =	sor.u32 $0x1C01, s16  }
0xd: {  	s16 =	simm.s32 $0x80;
	s21 =	sshrl.u32 @!p0 s2, $0x3;
	s11 =	sshrl.u32 s9, $0x3  }
0xe: {  	s14 =	sshrl.u32 s13, $0x1;
	s30 =	sadd.s32 s9, s2;
	s11 =	sadd.s32 s11, s8  }
0xf: {  	s8 =	sadd.s32 $0x1E800, s8;
	s13 =	ssub.s32 s13, s14;
	s12 =	sadd.s32 s12, s17  }
0x10: {  	v0 =	vlaneseq.u32;
	s14 =	sshrl.u32 s30, $0x3;
	s17 =	simm.s32 $0x180;
	s9 =	sadd.s32 $0x19800, s11  }
0x11: {  	v0 =	vmul.u32 $0x8, v0;
	s11 =	smul.u32 $0x2880, s15;
	s13 =	smax.u32 s13, $0x1;
	s15 =	simm.s32 $0x1  }
.LBB2_1:
0x12: {  	[spmem:s14], [sflag:s10] =	dma.local [hbm:s9], $0x280  }
0x13: {  	_ =	swait.ge [sflag:s15], $0x280  }
0x14: {  	[sflag:s15] =	ssyncset.done $0x0  }
0x15: {  	[sflag:s15] =	ssyncadd.s32 $0xFFFFFD80  }
0x16: {  	s23 =	simm.s32 $0x0;
	[bflag:$0x0] =	sbarrier.arrive $0xFFFF  }
.LBB2_2:
0x17: {  	s24 =	sshll.u32 s23, $0x7  }
0x18: {  	s24 =	sadd.s32 s11, s24  }
0x19: {  	s25 =	sshrl.u32 s24, $0x3  }
0x1a: {  	s28 =	simm.s32 $0x0;
	s26 =	sadd.s32 s4, s25  }
0x1b: {  	[tilespmem:s28], [sflag:$0x1] =	stream.linear.gather [hbm4b:s26+s28], $0x80, $0x38;
	[tilespmem:$0x1B80] =	vst v63  }
0x1c: {  	_ =	swait.ge [sflag:s15], $0x80  }
0x1d: {  	[sflag:s15] =	ssyncset.done $0x0  }
0x1e: {  	s29 =	sadd.s32 s1, s25;
	[sflag:s15] =	ssyncadd.s32 $0xFFFFFF80  }
0x1f: {  	[tilespmem:s16], [sflag:$0x1] =	stream.linear.gather [hbm4b:s29+s28], $0x80, $0x38;
	[tilespmem:$0x1B80] =	vst v63  }
0x20: {  	_ =	swait.ge [sflag:s15], $0x80  }
0x21: {  	[sflag:s15] =	ssyncset.done $0x0  }
0x22: {  	s30 =	sadd.s32 s5, s25;
	s25 =	simm.s32 $0x100;
	[sflag:s15] =	ssyncadd.s32 $0xFFFFFF80  }
0x23: {  	[tilespmem:s25], [sflag:$0x1] =	stream.linear.gather [hbm4b:s30+s28], $0x80, $0x38;
	[tilespmem:$0x1B80] =	vst v63  }
0x24: {  	_ =	swait.ge [sflag:s15], $0x80  }
0x25: {  	[sflag:s15] =	ssyncset.done $0x0  }
0x26: {  	[sflag:s15] =	ssyncadd.s32 $0xFFFFFF80  }
0x27: {  	[tilespmem:s17], [sflag:$0x1] =	stream.indirect.gather [hbm4b:s6+s16], $0x8, s28, s16, $0xb8;
	[tilespmem:$0x1B80] =	vst v63  }
0x28: {  	_ =	swait.ge [sflag:s15], $0x400  }
0x29: {  	[sflag:s15] =	ssyncset.done $0x0  }
0x2a: {  	[sflag:s15] =	ssyncadd.s32 $0xFFFFFC00  }
0x2b: {  	v1 =	vmov s28;
	[tilespmem:s18], [sflag:$0x1] =	stream.indirect.gather [hbm4b:s6+s16], $0x8, s16, s16, $0xb8;
	[tilespmem:$0x1B80] =	vst v63  }
0x2c: {  	v1 =	vshll.u32 v1, $0x3;
	_ =	swait.ge [sflag:s15], $0x400  }
0x2d: {  	v2 =	vor.u32 v0, v1;
	[sflag:s15] =	ssyncset.done $0x0  }
0x2e: {  	v1 =	vor.u32 $0x4, v2;
	[sflag:s15] =	ssyncadd.s32 $0xFFFFFC00  }
0x2f: {  	[tilespmem:s19], [sflag:$0x1] =	stream.indirect.gather [hbm4b:s7+s16], $0x4, s28, s16, $0xb8;
	[tilespmem:$0x1B80] =	vst v63  }
0x30: {  	_ =	swait.ge [sflag:s15], $0x200  }
0x31: {  	[sflag:s15] =	ssyncset.done $0x0  }
0x32: {  	[sflag:s15] =	ssyncadd.s32 $0xFFFFFE00  }
0x33: {  	v1 =	vld.idx.msk [tilespmem:v1+s18+$0x0], $0xffff  }
0x34: {  	v3 =	vld.idx.msk [tilespmem:v2+s17+$0x0], $0xffff  }
0x35: {  	v4 =	vld [tilespmem:s25+$0x0];
	_ =	sdelay $0x3  }
0x36: {  	v1 =	vadd.f32 v1, v3  }
0x37: {  	v3 =	vand.u32 $0x7FFFFFFF, v4  }
0x38: {  	v1 =	vmul.f32 v1, v3;
	_ =	sdelay $0x1  }
0x39: {  	v4 =	vld.idx.msk [tilespmem:v2+s19+$0x0], $0xffff;
	v5 =	vmul.f32 $2.000000030e-01, v1  }
0x3a: {  	vm0 =	vge.f32 v1, $0.0e+00  }
0x3b: {  	v1 =	vsel vm0, v1, v5  }
0x3c: {  	v1 =	vmul.f32 $1.000000000e+02, v1;
	_ =	sdelay $0x1  }
0x3d: {  	v5 =	vor.u32 $0x5, v2;
	v1 =	vsub.f32 v1, v4  }
0x3e: {  	v4 =	vor.u32 $0x1, v2  }
0x3f: {  	v1 =	vmul.f32 $1.442695020e+00, v1;
	_ =	sdelay $0x1  }
0x40: {  	(erf) = vpow2.f32 v1  }
0x41: {  	v5 =	vld.idx.msk [tilespmem:v5+s18+$0x0], $0xffff  }
0x42: {  	v6 =	vor.u32 $0x6, v2;
	v8 =	vld.idx.msk [tilespmem:v4+s17+$0x0], $0xffff  }
0x43: {  	v7 =	vor.u32 $0x7, v2  }
0x44: {  	v1 =	vor.u32 $0x3, v2  }
0x45: {  	v9 =	vor.u32 $0x2, v2;
	_ =	sdelay $0x1  }
0x46: {  	v6 =	vld.idx.msk [tilespmem:v6+s18+$0x0], $0xffff;
	v5 =	vadd.f32 v5, v8  }
0x47: {  	v7 =	vld.idx.msk [tilespmem:v7+s18+$0x0], $0xffff  }
0x48: {  	v10 =	vld.idx.msk [tilespmem:v1+s17+$0x0], $0xffff;
	v5 =	vmul.f32 v5, v3;
	v11 =	vpop (erf)  }
0x49: {  	v8 =	vld.idx.msk [tilespmem:v9+s17+$0x0], $0xffff;
	[tilespmem:v2+s20+$0x0] =	vst.idx.msk $0xffff, v11  }
0x4a: {  	v2 =	vmul.f32 $2.000000030e-01, v5;
	v11 =	vld.idx.msk [tilespmem:v4+s19+$0x0], $0xffff  }
0x4b: {  	vm13 =	vge.f32 v5, $0.0e+00  }
0x4c: {  	v2 =	vsel vm13, v5, v2  }
0x4d: {  	v2 =	vmul.f32 $1.000000000e+02, v2;
	_ =	sdelay $0x1  }
0x4e: {  	v2 =	vsub.f32 v2, v11;
	_ =	sdelay $0x1  }
0x4f: {  	v2 =	vmul.f32 $1.442695020e+00, v2;
	_ =	sdelay $0x1  }
0x50: {  	(erf) = vpow2.f32 v2;
	_ =	sdelay $0x6  }
0x51: {  	v2 =	vadd.f32 v6, v8;
	_ =	sdelay $0x1  }
0x52: {  	v2 =	vmul.f32 v2, v3;
	v5 =	vpop (erf)  }
0x53: {  	[tilespmem:v4+s20+$0x0] =	vst.idx.msk $0xffff, v5  }
0x54: {  	v4 =	vmul.f32 $2.000000030e-01, v2;
	v5 =	vld.idx.msk [tilespmem:v9+s19+$0x0], $0xffff  }
0x55: {  	vm14 =	vge.f32 v2, $0.0e+00  }
0x56: {  	v2 =	vsel vm14, v2, v4  }
0x57: {  	v2 =	vmul.f32 $1.000000000e+02, v2;
	_ =	sdelay $0x1  }
0x58: {  	v2 =	vsub.f32 v2, v5;
	_ =	sdelay $0x1  }
0x59: {  	v2 =	vmul.f32 $1.442695020e+00, v2;
	_ =	sdelay $0x1  }
0x5a: {  	(erf) = vpow2.f32 v2;
	_ =	sdelay $0x6  }
0x5b: {  	v2 =	vadd.f32 v7, v10;
	_ =	sdelay $0x1  }
0x5c: {  	v2 =	vmul.f32 v2, v3;
	v3 =	vpop (erf)  }
0x5d: {  	[tilespmem:v9+s20+$0x0] =	vst.idx.msk $0xffff, v3  }
0x5e: {  	v3 =	vmul.f32 $2.000000030e-01, v2;
	v4 =	vld.idx.msk [tilespmem:v1+s19+$0x0], $0xffff  }
0x5f: {  	vm15 =	vge.f32 v2, $0.0e+00  }
0x60: {  	v2 =	vsel vm15, v2, v3  }
0x61: {  	v2 =	vmul.f32 $1.000000000e+02, v2;
	_ =	sdelay $0x1  }
0x62: {  	v2 =	vsub.f32 v2, v4;
	_ =	sdelay $0x1  }
0x63: {  	v4 =	vmul.f32 $1.442695020e+00, v2;
	_ =	sdelay $0x1  }
0x64: {  	(erf) = vpow2.f32 v4;
	_ =	sdelay $0x1  }
0x65: {  	s31 =	simm.s32 $0x10  }
0x66: {  	v3 =	vmov s31  }
0x67: {  	v2 =	vshll.u32 v3, $0x3  }
0x68: {  	v2 =	vor.u32 v0, v2  }
0x69: {  	v6 =	vor.u32 $0x4, v2  }
0x6a: {  	s26 =	simm.s32 $0x20;
	v5 =	vor.u32 $0x5, v2;
	v4 =	vor.u32 $0x6, v2;
	v3 =	vor.u32 $0x7, v2  }
.LBB2_3:
0x6b: {  	p1 =	sne.s32 s26, $0x70  }
0x6c: {  	s25 =	sadd.s32 $0x10, s25;
	s28 =	smov.u32 s26;
	s26 =	sadd.s32 $0x10, s26;
	v7 =	vpop (erf)  }
0x6d: {  	[tilespmem:v1+s20+$0x0] =	vst.idx.msk $0xffff, v7  }
0x6e: {  	v1 =	vld.idx.msk [tilespmem:v6+s18+$0x0], $0xffff  }
0x6f: {  	v6 =	vld.idx.msk [tilespmem:v2+s17+$0x0], $0xffff  }
0x70: {  	v7 =	vld [tilespmem:s25+$0x0];
	_ =	sdelay $0x4  }
0x71: {  	v1 =	vadd.f32 v1, v6  }
0x72: {  	v6 =	vand.u32 $0x7FFFFFFF, v7  }
0x73: {  	v1 =	vmul.f32 v1, v6;
	v7 =	vld.idx.msk [tilespmem:v2+s19+$0x0], $0xffff;
	_ =	sdelay $0x1  }
0x74: {  	v8 =	vmul.f32 $2.000000030e-01, v1  }
0x75: {  	vm0 =	vge.f32 v1, $0.0e+00  }
0x76: {  	v1 =	vsel vm0, v1, v8  }
0x77: {  	v1 =	vmul.f32 $1.000000000e+02, v1;
	_ =	sdelay $0x1  }
0x78: {  	v8 =	vor.u32 $0x1, v2;
	v1 =	vsub.f32 v1, v7;
	_ =	sdelay $0x1  }
0x79: {  	v1 =	vmul.f32 $1.442695020e+00, v1;
	_ =	sdelay $0x1  }
0x7a: {  	v5 =	vld.idx.msk [tilespmem:v5+s18+$0x0], $0xffff;
	(erf) = vpow2.f32 v1  }
0x7b: {  	v7 =	vld.idx.msk [tilespmem:v8+s17+$0x0], $0xffff;
	_ =	sdelay $0x1  }
0x7c: {  	v9 =	vor.u32 $0x2, v2;
	v1 =	vor.u32 $0x3, v2;
	_ =	sdelay $0x2  }
0x7d: {  	v4 =	vld.idx.msk [tilespmem:v4+s18+$0x0], $0xffff  }
0x7e: {  	v5 =	vadd.f32 v5, v7;
	v3 =	vld.idx.msk [tilespmem:v3+s18+$0x0], $0xffff  }
0x7f: {  	v7 =	vld.idx.msk [tilespmem:v9+s17+$0x0], $0xffff  }
0x80: {  	v5 =	vmul.f32 v5, v6;
	v10 =	vld.idx.msk [tilespmem:v1+s17+$0x0], $0xffff;
	v11 =	vpop (erf)  }
0x81: {  	[tilespmem:v2+s20+$0x0] =	vst.idx.msk $0xffff, v11  }
0x82: {  	v2 =	vmul.f32 $2.000000030e-01, v5;
	v11 =	vld.idx.msk [tilespmem:v8+s19+$0x0], $0xffff  }
0x83: {  	vm0 =	vge.f32 v5, $0.0e+00  }
0x84: {  	v2 =	vsel vm0, v5, v2  }
0x85: {  	v4 =	vadd.f32 v4, v7  }
0x86: {  	v2 =	vmul.f32 $1.000000000e+02, v2;
	v3 =	vadd.f32 v3, v10  }
0x87: {  	v4 =	vmul.f32 v4, v6  }
0x88: {  	v3 =	vmul.f32 v3, v6;
	v2 =	vsub.f32 v2, v11  }
0x89: {  	v5 =	vmul.f32 $2.000000030e-01, v4  }
0x8a: {  	vm0 =	vge.f32 v4, $0.0e+00;
	v6 =	vmul.f32 $2.000000030e-01, v3;
	v2 =	vmul.f32 $1.442695020e+00, v2  }
0x8b: {  	v4 =	vsel vm0, v4, v5;
	vm0 =	vge.f32 v3, $0.0e+00  }
0x8c: {  	v3 =	vsel vm0, v3, v6;
	(erf) = vpow2.f32 v2;
	_ =	sdelay $0x8  }
0x8d: {  	v2 =	vpop (erf)  }
0x8e: {  	[tilespmem:v8+s20+$0x0] =	vst.idx.msk $0xffff, v2  }
0x8f: {  	v2 =	vld.idx.msk [tilespmem:v9+s19+$0x0], $0xffff;
	_ =	sdelay $0x2  }
0x90: {  	v4 =	vmul.f32 $1.000000000e+02, v4;
	_ =	sdelay $0x2  }
0x91: {  	v2 =	vsub.f32 v4, v2;
	_ =	sdelay $0x1  }
0x92: {  	v2 =	vmul.f32 $1.442695020e+00, v2;
	_ =	sdelay $0x1  }
0x93: {  	(erf) = vpow2.f32 v2;
	_ =	sdelay $0x8  }
0x94: {  	v2 =	vpop (erf)  }
0x95: {  	[tilespmem:v9+s20+$0x0] =	vst.idx.msk $0xffff, v2  }
0x96: {  	v2 =	vld.idx.msk [tilespmem:v1+s19+$0x0], $0xffff;
	_ =	sdelay $0x2  }
0x97: {  	v3 =	vmul.f32 $1.000000000e+02, v3;
	_ =	sdelay $0x2  }
0x98: {  	v2 =	vsub.f32 v3, v2;
	_ =	sdelay $0x1  }
0x99: {  	v2 =	vmul.f32 $1.442695020e+00, v2;
	_ =	sdelay $0x1  }
0x9a: {  	(erf) = vpow2.f32 v2;
	_ =	sdelay $0x2  }
.Ltmp0:
0x9b: {  	v2 =	vmov s28;
	(pc) =	sbr.rel @p1 .LBB2_3-.Ltmp0, $4  }
0x9c: {  	v2 =	vshll.u32 v2, $0x3  }
0x9d: {  	v2 =	vor.u32 v0, v2  }
0x9e: {  	v6 =	vor.u32 $0x4, v2;
	v5 =	vor.u32 $0x5, v2;
	v4 =	vor.u32 $0x6, v2  }
0x9f: {  	v3 =	vor.u32 $0x7, v2  }
0xa0: {  	_ =	sdelay $0x2  }
0xa1: {  	v7 =	vpop (erf)  }
0xa2: {  	[tilespmem:v1+s20+$0x0] =	vst.idx.msk $0xffff, v7  }
0xa3: {  	v1 =	vld.idx.msk [tilespmem:v6+s18+$0x0], $0xffff  }
0xa4: {  	s25 =	sadd.s32 $0x10, s25;
	v56 =	vld.idx.msk [tilespmem:v2+s17+$0x0], $0xffff  }
0xa5: {  	v7 =	vld [tilespmem:s25+$0x0];
	_ =	sdelay $0x3  }
0xa6: {  	v1 =	vadd.f32 v1, v56  }
0xa7: {  	v57 =	vand.u32 $0x7FFFFFFF, v7  }
0xa8: {  	v1 =	vmul.f32 v1, v57;
	_ =	sdelay $0x1  }
0xa9: {  	v58 =	vld.idx.msk [tilespmem:v2+s19+$0x0], $0xffff;
	v8 =	vmul.f32 $2.000000030e-01, v1  }
0xaa: {  	vm0 =	vge.f32 v1, $0.0e+00  }
0xab: {  	v1 =	vsel vm0, v1, v8  }
0xac: {  	v1 =	vmul.f32 $1.000000000e+02, v1;
	_ =	sdelay $0x1  }
0xad: {  	v59 =	vor.u32 $0x1, v2;
	v1 =	vsub.f32 v1, v58;
	_ =	sdelay $0x1  }
0xae: {  	v1 =	vmul.f32 $1.442695020e+00, v1;
	_ =	sdelay $0x1  }
0xaf: {  	(erf) = vpow2.f32 v1  }
0xb0: {  	v60 =	vld.idx.msk [tilespmem:v59+s17+$0x0], $0xffff  }
0xb1: {  	v1 =	vld.idx.msk [tilespmem:v5+s18+$0x0], $0xffff;
	_ =	sdelay $0x1  }
0xb2: {  	v61 =	vor.u32 $0x2, v2  }
0xb3: {  	v9 =	vor.u32 $0x3, v2;
	_ =	sdelay $0x1  }
0xb4: {  	v4 =	vld.idx.msk [tilespmem:v4+s18+$0x0], $0xffff;
	v1 =	vadd.f32 v1, v60  }
0xb5: {  	v3 =	vld.idx.msk [tilespmem:v3+s18+$0x0], $0xffff  }
0xb6: {  	v62 =	vld.idx.msk [tilespmem:v61+s17+$0x0], $0xffff;
	v1 =	vmul.f32 v1, v57;
	v11 =	vpop (erf)  }
0xb7: {  	v10 =	vld.idx.msk [tilespmem:v9+s17+$0x0], $0xffff;
	[tilespmem:v2+s20+$0x0] =	vst.idx.msk $0xffff, v11  }
0xb8: {  	v2 =	vmul.f32 $2.000000030e-01, v1;
	v11 =	vld.idx.msk [tilespmem:v59+s19+$0x0], $0xffff  }
0xb9: {  	vm13 =	vge.f32 v1, $0.0e+00  }
0xba: {  	v1 =	vsel vm13, v1, v2  }
0xbb: {  	v1 =	vmul.f32 $1.000000000e+02, v1;
	_ =	sdelay $0x1  }
0xbc: {  	v1 =	vsub.f32 v1, v11;
	_ =	sdelay $0x1  }
0xbd: {  	v1 =	vmul.f32 $1.442695020e+00, v1;
	_ =	sdelay $0x1  }
0xbe: {  	(erf) = vpow2.f32 v1;
	_ =	sdelay $0x6  }
0xbf: {  	v1 =	vadd.f32 v4, v62;
	_ =	sdelay $0x1  }
0xc0: {  	v1 =	vmul.f32 v1, v57;
	v2 =	vpop (erf)  }
0xc1: {  	[tilespmem:v59+s20+$0x0] =	vst.idx.msk $0xffff, v2  }
0xc2: {  	v2 =	vmul.f32 $2.000000030e-01, v1;
	v63 =	vld.idx.msk [tilespmem:v61+s19+$0x0], $0xffff  }
0xc3: {  	vm14 =	vge.f32 v1, $0.0e+00  }
0xc4: {  	v1 =	vsel vm14, v1, v2  }
0xc5: {  	v1 =	vmul.f32 $1.000000000e+02, v1;
	_ =	sdelay $0x1  }
0xc6: {  	v1 =	vsub.f32 v1, v63;
	_ =	sdelay $0x1  }
0xc7: {  	v1 =	vmul.f32 $1.442695020e+00, v1;
	_ =	sdelay $0x1  }
0xc8: {  	(erf) = vpow2.f32 v1;
	_ =	sdelay $0x6  }
0xc9: {  	v1 =	vadd.f32 v3, v10;
	_ =	sdelay $0x1  }
0xca: {  	v1 =	vmul.f32 v1, v57;
	v2 =	vpop (erf)  }
0xcb: {  	[tilespmem:v61+s20+$0x0] =	vst.idx.msk $0xffff, v2  }
0xcc: {  	v2 =	vmul.f32 $2.000000030e-01, v1;
	v3 =	vld.idx.msk [tilespmem:v9+s19+$0x0], $0xffff  }
0xcd: {  	vm15 =	vge.f32 v1, $0.0e+00  }
0xce: {  	v1 =	vsel vm15, v1, v2  }
0xcf: {  	v1 =	vmul.f32 $1.000000000e+02, v1;
	_ =	sdelay $0x1  }
0xd0: {  	v1 =	vsub.f32 v1, v3;
	_ =	sdelay $0x1  }
0xd1: {  	v1 =	vmul.f32 $1.442695020e+00, v1;
	_ =	sdelay $0x1  }
0xd2: {  	(erf) = vpow2.f32 v1;
	_ =	sdelay $0x8  }
0xd3: {  	v1 =	vpop (erf)  }
0xd4: {  	s24 =	sadd.s32 s8, s24;
	[tilespmem:v9+s20+$0x0] =	vst.idx.msk $0xffff, v1  }
0xd5: {  	[hbm4b:s24+s3] =	stream.linear.scatter [tilespmem:s20], [sflag:$0x1], $0x400, $0x38;
	[tilespmem:$0x1B80] =	vst v63  }
0xd6: {  	s23 =	sadd.s32 $0x1, s23;
	_ =	swait.ge [sflag:s15], $0x400  }
0xd7: {  	p1 =	sne.s32 s23, $0x51;
	[sflag:s15] =	ssyncset.done $0x0  }
.Ltmp1:
0xd8: {  	[sflag:s15] =	ssyncadd.s32 $0xFFFFFC00;
	(pc) =	sbr.rel @p1 .LBB2_2-.Ltmp1, $4  }
0xd9: {  	[spmem:s2] =	stream.indirect.scatter.add.f32 [tilespmem:s20], [sflag:$0x1], $0x4, s3, s16, $0xb8;
	[tilespmem:$0x1B80] =	vst v63  }
0xda: {  	_ =	swait.ge [sflag:s15], $0x200  }
0xdb: {  	[sflag:s15] =	ssyncset.done $0x0  }
0xdc: {  	[sflag:s15] =	ssyncadd.s32 $0xFFFFFE00  }
0xdd: {  	s22 =	sadd.s32 $0x1, s22  }
0xde: {  	p1 =	sne.s32 s22, s13  }
.Ltmp2:
0xdf: {  	[bflag:$0x0] =	sbarrier.arrive $0xFFFF;
	s23 =	simm.s32 @!p0 $0x1;
	(pc) =	sbr.rel @p1 .LBB2_1-.Ltmp2, $4  }
0xe0: {  	[hbm:s12], [sflag:s10] =	dma.local @!p0 [spmem:s21], $0x2800  }
0xe1: {  	_ =	swait.ge @!p0 [sflag:s23], $0x2800  }
0xe2: {  	[sflag:s23] =	ssyncset.done @!p0 $0x0  }
0xe3: {  	[sflag:s23] =	ssyncadd.s32 @!p0 $0xFFFFD800  }
0xe4: {  	_ =	sfence.sel $0x180000  }
0xe5: {  	[bflag:$0x0] =	sbarrier.arrive $0xFFFF  }
0xe6: {  	_ =	strace $0x9000004D  }
0xe7: {  	s0 =	sadd.s32 @!p0 $0x100000, s0;
	[bflag:$0x2] =	sbarrier.arrive $0xFFFF  }
0xe8: {  	[sflag:s0] =	ssyncadd.tile.s32 @!p0 $0x1;
	_ =	shalt  }
.Lfunc_end2:
_tile_overlayer_lowered:
.L_overlay_start_2:
0xe9: {  	(tag) =	ssettag $0x2  }
0xea: {  	s0 =	rddreg [dreg:$0x0];
	s2 =	stileid.u32  }
0xeb: {  	s1 =	rddreg [dreg:$0x1];
	p0 =	sne.s32 s2, $0x0  }
0xec: {  	s3 =	rddreg [dreg:$0x2];
	[bflag:$0x3] =	sbarrier.arrive $0xFFFF;
	s2 =	simm.s32 @!p0 $0x1C01  }
0xed: {  	[timem:s3], [sflag:s2] =	dma.local @!p0 [hbm:s0], s1  }
0xee: {  	s0 =	simm.s32 @!p0 $0x1  }
0xef: {  	_ =	swait.ge @!p0 [sflag:s0], s1  }
0xf0: {  	s1 =	ssub.s32 @!p0 $0x0, s1;
	[sflag:s0] =	ssyncset.done @!p0 $0x0  }
0xf1: {  	[sflag:s0] =	ssyncadd.s32 @!p0 s1  }
0xf2: {  	[bflag:$0x3] =	sbarrier.arrive $0xFFFF  }
0xf3: {  	_ =	shalt  }

// kernel: kernel.16.cloned.1.call-start
scs
__scs_entry_jumppad:
0x0: {  	(pc) =	sbr.rel $0x88, $3  }
0x1: {  	(tag) =	ssettag $0x0;
	lr =	simm.s32 $0x1  }
0x2: {  	[smem:$0x3F9C] =	sst lr;
	_ =	strace $0xD0000000  }
0x3: {  	_ = 	snop  }
0x4: {  	_ = 	snop  }
0x5: {  	_ = 	snop  }
0x6: {  	_ = 	snop  }
0x7: {  	_ = 	snop  }
__scs_overlays_trampoline_lowered:
0x8: {  	[smem:$0x3FAB] =	sst s0  }
0x9: {  	[smem:$0x3FAC] =	sst s1  }
0xa: {  	[smem:$0x3FAD] =	sst s2  }
0xb: {  	[smem:$0x3FAE] =	sst s3  }
0xc: {  	[smem:$0x3FAF] =	sst s4  }
0xd: {  	[smem:$0x3FB0] =	sst s5  }
0xe: {  	[smem:$0x3FB1] =	sst s6  }
0xf: {  	[smem:$0x3FB2] =	sst s7  }
0x10: {  	[smem:$0x3FB3] =	sst s8  }
0x11: {  	[smem:$0x3FB4] =	sst s9;
	s0 =	simm.s32 @!p0 $0x0  }
0x12: {  	s1 =	sld [smem:$0x3F9A];
	s0 =	simm.s32 @p0 $0x1  }
0x13: {  	[smem:$0x3FB5] =	sst s0;
	s0 =	simm.s32 @!p1 $0x0  }
0x14: {  	s2 =	sld [smem:$0x3F99];
	s0 =	simm.s32 @p1 $0x1  }
0x15: {  	[smem:$0x3FB6] =	sst s0;
	s0 =	simm.s32 @!p2 $0x0  }
0x16: {  	s3 =	sld [smem:$0x3FDB];
	s0 =	simm.s32 @p2 $0x1  }
0x17: {  	s4 =	simm.s32 $0x1BF5;
	[smem:$0x3FB8] =	sst s0  }
0x18: {  	s0 =	sld [smem:$0x3F9B];
	_ =	swait.ge [sflag:s4], $0x0  }
0x19: {  	s7 =	sld [smem:$0x3F9C]  }
0x1a: {  	s8 =	sadd.s32 $0xFFFFE003, lr  }
0x1b: {  	s9 =	sadd.s32 $0xFFFFFEF7, lr;
	s5 =	simm.s32 $0xFFFFFFFF;
	p2 =	slt.u32 s8, $0xFFFFF086  }
0x1c: {  	p1 =	slt.u32 s9, $0xF7A;
	s5 =	simm.s32 @!p2 $0x0  }
0x1d: {  	s5 =	simm.s32 @p1 $0x1;
	p0 =	seq.s32 s7, s2  }
0x1e: {  	s7 =	smul.u32 @!p0 $0xF7A, s2;
	p2 =	seq.s32 @!p0 s5, $0x0  }
0x1f: {  	s9 =	smul.u32 $0xF7A, s1;
	s8 =	simm.s32 @!p0 $0x1BF5;
	p2 =	por !p2, p0  }
0x20: {  	[sflag:s8] =	ssyncset.s32 @!p0 $0xFFFFF086;
	s6 =	sadd.s32 @!p0 s3, s7;
	s7 =	simm.s32 @!p0 $0x108  }
0x21: {  	s3 =	sadd.s32 s3, s9;
	s6 =	sadd.s32 @!p0 $0x88, s6;
	s7 =	simm.s32 @p2 $0x1082  }
0x22: {  	[simem:s7], [sflag:s8] =	dma.local @!p0 [hbm:s6], $0xF7A  }
0x23: {  	s9 =	sor.u32 $0xD0000000, s2;
	s6 =	simm.s32 $0x108;
	_ =	swait.ge @!p0 [sflag:s8], $0x0  }
0x24: {  	s3 =	sadd.s32 $0x88, s3;
	s6 =	simm.s32 @!p1 $0x1082;
	[sflag:s4] =	ssyncset.s32 $0xFFFFF086  }
0x25: {  	[simem:s6], [sflag:s4] =	dma.local [hbm:s3], $0xF7A  }
0x26: {  	[smem:$0x3F9C] =	sst s1;
	(tag) =	ssettag s2;
	_ =	strace s9  }
0x27: {  	s1 =	sld [smem:$0x3FAC]  }
0x28: {  	s2 =	sld [smem:$0x3FAD]  }
0x29: {  	s4 =	sld [smem:$0x3FAF]  }
0x2a: {  	p0 =	seq.s32 s5, $0x0;
	s5 =	sld [smem:$0x3FB0]  }
0x2b: {  	s6 =	sld [smem:$0x3FB1]  }
0x2c: {  	s7 =	sld [smem:$0x3FB2]  }
0x2d: {  	s3 =	simm.s32 $0x108;
	s8 =	sld [smem:$0x3FB3]  }
0x2e: {  	s3 =	simm.s32 @!p0 $0x1082;
	s9 =	sld [smem:$0x3FB4]  }
0x2f: {  	lr =	sadd.s32 s0, s3;
	s0 =	sld [smem:$0x3FAB]  }
0x30: {  	s3 =	sld [smem:$0x3FAE]  }
0x31: {  	[smem:$0x3FB7] =	sst s10  }
0x32: {  	s10 =	sld [smem:$0x3FB5];
	_ =	sdelay $0x3  }
0x33: {  	p0 =	seq.s32 s10, $0x1;
	s10 =	sld [smem:$0x3FB7];
	_ =	sdelay $0x3  }
0x34: {  	[smem:$0x3FB7] =	sst s10  }
0x35: {  	s10 =	sld [smem:$0x3FB6];
	_ =	sdelay $0x3  }
0x36: {  	p1 =	seq.s32 s10, $0x1;
	s10 =	sld [smem:$0x3FB7];
	_ =	sdelay $0x3  }
0x37: {  	[smem:$0x3FB7] =	sst s10  }
0x38: {  	s10 =	sld [smem:$0x3FB8]  }
0x39: {  	_ = 	snop;
	(pc) =	sbr.ind lr, $3  }
0x3a: {  	_ = 	snop  }
0x3b: {  	_ = 	snop  }
0x3c: {  	p2 =	seq.s32 s10, $0x1;
	s10 =	sld [smem:$0x3FB7]  }
0x3d: {  	_ =	shalt  }
0x3e: {  	_ =	shalt  }
0x3f: {  	_ =	shalt  }
0x40: {  	_ =	shalt  }
0x41: {  	_ =	shalt  }
0x42: {  	_ =	shalt  }
0x43: {  	_ =	shalt  }
0x44: {  	_ =	shalt  }
0x45: {  	_ =	shalt  }
0x46: {  	_ =	shalt  }
0x47: {  	_ =	shalt  }
0x48: {  	_ =	shalt  }
0x49: {  	_ =	shalt  }
0x4a: {  	_ =	shalt  }
0x4b: {  	_ =	shalt  }
0x4c: {  	_ =	shalt  }
0x4d: {  	_ =	shalt  }
0x4e: {  	_ =	shalt  }
0x4f: {  	_ =	shalt  }
0x50: {  	_ =	shalt  }
0x51: {  	_ =	shalt  }
0x52: {  	_ =	shalt  }
0x53: {  	_ =	shalt  }
0x54: {  	_ =	shalt  }
0x55: {  	_ =	shalt  }
0x56: {  	_ =	shalt  }
0x57: {  	_ =	shalt  }
0x58: {  	_ =	shalt  }
0x59: {  	_ =	shalt  }
0x5a: {  	_ =	shalt  }
0x5b: {  	_ =	shalt  }
0x5c: {  	_ =	shalt  }
0x5d: {  	_ =	shalt  }
0x5e: {  	_ =	shalt  }
0x5f: {  	_ =	shalt  }
0x60: {  	_ =	shalt  }
0x61: {  	_ =	shalt  }
0x62: {  	_ =	shalt  }
0x63: {  	_ =	shalt  }
0x64: {  	_ =	shalt  }
0x65: {  	_ =	shalt  }
0x66: {  	_ =	shalt  }
0x67: {  	_ =	shalt  }
0x68: {  	_ =	shalt  }
0x69: {  	_ =	shalt  }
0x6a: {  	_ =	shalt  }
0x6b: {  	_ =	shalt  }
0x6c: {  	_ =	shalt  }
0x6d: {  	_ =	shalt  }
0x6e: {  	_ =	shalt  }
0x6f: {  	_ =	shalt  }
0x70: {  	_ =	shalt  }
0x71: {  	_ =	shalt  }
0x72: {  	_ =	shalt  }
0x73: {  	_ =	shalt  }
0x74: {  	_ =	shalt  }
0x75: {  	_ =	shalt  }
0x76: {  	_ =	shalt  }
0x77: {  	_ =	shalt  }
0x78: {  	_ =	shalt  }
0x79: {  	_ =	shalt  }
0x7a: {  	_ =	shalt  }
0x7b: {  	_ =	shalt  }
0x7c: {  	_ =	shalt  }
0x7d: {  	_ =	shalt  }
0x7e: {  	_ =	shalt  }
0x7f: {  	_ =	shalt  }
0x80: {  	_ =	shalt  }
0x81: {  	_ =	shalt  }
0x82: {  	_ =	shalt  }
0x83: {  	_ =	shalt  }
0x84: {  	_ =	shalt  }
0x85: {  	_ =	shalt  }
0x86: {  	_ =	shalt  }
0x87: {  	_ =	shalt  }
.Lfunc_end0:
.L_simem_size_0:
called_computation.3_lowered:
.L_overlay_start_0:
0x88: {  	s2 =	sld [smem:$0x3FD9]  }
0x89: {  	s3 =	sld [smem:$0x3FFE];
	_ =	sdelay $0x1  }
0x8a: {  	s1 =	srdreg.scid  }
0x8b: {  	s0 =	sand.u32 $0x1, s1  }
0x8c: {  	s14 =	sshll.u32 s0, $0xA;
	s2 =	sadd.s32 s3, s2  }
0x8d: {  	s2 =	sadd.s32 s2, s14  }
0x8e: {  	[smem:$0x3FC3] =	sst s2  }
0x8f: {  	_ = 	snop  }
0x90: {  	s2 =	sld [smem:$0x3FD0];
	_ =	sdelay $0x2  }
0x91: {  	s15 =	simm.s32 $0xA;
	s4 =	simm.s32 $0x10  }
0x92: {  	[smem:s4], [sflag:s15] =	dma.local [hbm:s2], $0x1  }
0x93: {  	_ =	swait.eq [sflag:s15], $0x1  }
0x94: {  	[sflag:s15] =	ssyncset.done $0x0  }
0x95: {  	[sflag:s15] =	ssyncadd.s32 $0xFFFFFFFF  }
0x96: {  	s16 =	sld [smem:$0x10];
	(tm) =	ssettm $0x1  }
0x97: {  	s17 =	sld [smem:$0x3FFB];
	_ =	sdelay $0x3  }
0x98: {  	_ =	strace s17  }
0x99: {  	s3 =	sld [smem:$0x3FFC];
	_ =	sdelay $0x3  }
0x9a: {  	_ =	strace s3  }
0x9b: {  	s3 =	sld [smem:$0x3FFD];
	_ =	sdelay $0x3  }
0x9c: {  	_ =	strace s3  }
0x9d: {  	_ =	strace $0x8FFFFFFF  }
0x9e: {  	s18 =	sld [smem:$0x3FDB];
	_ =	sdelay $0x1  }
0x9f: {  	s19 =	simm.s32 $_scs_section_size  }
0xa0: {  	s5 =	simm.s32 $_size__tile_overlayer_lowered;
	s6 =	simm.s32 $_tile_overlayer_lowered  }
0xa1: {  	s22 =	simm.s32 $0x1BFF;
	s21 =	sshll.u32 s6, $0x1;
	s3 =	sadd.s32 s19, s18  }
0xa2: {  	s7 =	simm.s32 $0x0;
	s20 =	sshll.u32 s5, $0x1;
	s5 =	sadd.s32 s21, s3  }
0xa3: {  	[timem:s7], [sflag:s22] =	dma.local [hbm:s5], s20  }
0xa4: {  	_ =	swait.ge [sflag:s22], s20  }
0xa5: {  	s4 =	ssub.s32 $0x0, s20;
	[sflag:s22] =	ssyncset.done $0x0  }
0xa6: {  	[sflag:s22] =	ssyncadd.s32 s4;
	_ =	sdelay $0x1  }
0xa7: {  	s23 =	simm.s32 $0x1B8B  }
0xa8: {  	_ =	swait.ge [sflag:s23], $0x1  }
0xa9: {  	[sflag:s23] =	ssyncset.done $0x0  }
0xaa: {  	s25 =	simm.s32 $0x1B8E;
	s24 =	sld [smem:$0x3FFE];
	[sflag:s23] =	ssyncadd.s32 $0xFFFFFFFF  }
0xab: {  	s26 =	simm.s32 $execute0_lowered;
	[smem:$0x3FD2] =	sst s25  }
0xac: {  	s5 =	sshll.u32 s26, $0x1;
	_ =	strace $0x8000004F;
	[dreg:$0x1] =	wrdreg $0xFFFFFFFF  }
0xad: {  	s28 =	simm.s32 $_size_execute0_lowered;
	s3 =	sadd.s32 s3, s5;
	[dreg:$0x0] =	wrdreg $0x0  }
0xae: {  	s5 =	sshll.u32 s28, $0x1;
	[dreg:$0x2] =	wrdreg s3  }
0xaf: {  	[dreg:$0x3] =	wrdreg s5  }
0xb0: {  	[dreg:$0x4] =	wrdreg $0xC0  }
0xb1: {  	_ =	task [dreg:s7], $0x5FFFF  }
0xb2: {  	[dreg:$0x1] =	wrdreg $0xFFFFFFFF  }
0xb3: {  	[dreg:$0x0] =	wrdreg $0x60  }
0xb4: {  	[dreg:$0x2] =	wrdreg s24  }
0xb5: {  	[dreg:$0x3] =	wrdreg s16  }
0xb6: {  	[dreg:$0x4] =	wrdreg $0x9  }
0xb7: {  	_ =	task.clear_ibuf [dreg:s7], $0x5FFFF;
	_ =	strace $0x9000004F  }
0xb8: {  	s29 =	simm.s32 $0x9;
	_ =	strace $0x80000051  }
0xb9: {  	_ =	swait.ge [sflag:s29], $0x1  }
0xba: {  	[sflag:s29] =	ssyncadd.s32 $0xFFFFFFFF  }
0xbb: {  	_ =	strace $0x90000051  }
0xbc: {  	_ =	sfence  }
0xbd: {  	s30 =	sld [smem:$0x0];
	_ =	sdelay $0x2  }
0xbe: {  	s31 =	sshll.u32 s1, $0xD;
	s1 =	sshrl.u32 s1, $0x2  }
0xbf: {  	s3 =	sand.u32 $0x4000, s31;
	s1 =	sadd.s32 s1, s30  }
0xc0: {  	s0 =	sor.u32 s3, s0;
	s1 =	sshll.u32 s1, $0x11  }
0xc1: {  	s0 =	sor.u32 s1, s0  }
0xc2: {  	s0 =	sadd.s32 $0x8F2B, s0  }
0xc3: {  	[sflag:s0] =	ssyncadd.remote.s32 $0x1  }
0xc4: {  	_ =	sfence.sel $0xFFFF  }
0xc5: {  	[dreg:$0x0] =	wrdreg $0xFFFFFFFF;
	(pc) =	sbr.abs _section_cstart, $3  }
0xc6: {  	[dreg:$0x1] =	wrdreg $0xFFFFFFFF  }
0xc7: {  	_ =	task.clear_ibuf [dreg:s7], $0x2FFFF;
	_ =	strace $0x9FFFFFFF  }
0xc8: {  	(tm) =	ssettm $0x7FFFFFFF  }
0xc9: {  	_ =	shalt  }
tec
execute0_lowered:
.L_overlay_start_1:
0x0: {  	(tag) =	ssettag $0x1  }
0x1: {  	s6 =	rddreg [dreg:$0x0]  }
0x2: {  	s1 =	rddreg [dreg:$0x1]  }
0x3: {  	s0 =	rddreg [dreg:$0x2];
	s2 =	simm.s32 $0x0;
	s3 =	srdreg.scid  }
0x4: {  	s11 =	simm.s32 $0x80;
	s12 =	simm.s32 $0x480;
	s13 =	simm.s32 $0x880  }
0x5: {  	s14 =	simm.s32 $0xC80;
	s15 =	simm.s32 $0x0;
	[smem:$0x7FF] =	sst s2  }
0x6: {  	s7 =	sand.u32 $0x1, s3;
	s4 =	sadd.s32 $0x1800, s6;
	s3 =	stileid.u32  }
0x7: {  	s5 =	sadd.s32 $0x1E800, s6;
	s6 =	sadd.s32 $0x6F800, s6;
	s8 =	ssub.s32 $0x2, s7  }
0x8: {  	v0 =	vlaneseq.u32;
	_ =	strace $0x80000050;
	s10 =	sshll.u32 s3, $0x1;
	s9 =	sshrl.u32 s8, $0x1  }
0x9: {  	v0 =	vmul.u32 $0x8, v0;
	s7 =	sor.u32 s7, s10;
	s10 =	simm.s32 $0x1;
	s9 =	ssub.s32 s8, s9  }
0xa: {  	s7 =	smul.u32 $0x2880, s7;
	s8 =	sadd.s32 $0x2800, s1;
	s9 =	smax.u32 s9, $0x1  }
.LBB2_1:
0xb: {  	s16 =	simm.s32 $0x0  }
.LBB2_2:
0xc: {  	s17 =	sshll.u32 s16, $0x7  }
0xd: {  	s17 =	sadd.s32 s7, s17  }
0xe: {  	s18 =	sshrl.u32 s17, $0x3  }
0xf: {  	s19 =	simm.s32 $0x0;
	s18 =	sadd.s32 s4, s18  }
0x10: {  	[tilespmem:s19], [sflag:$0x1] =	stream.linear.gather [hbm4b:s18+s19], $0x80, $0x38;
	[tilespmem:$0x1080] =	vst v63  }
0x11: {  	_ =	swait.ge [sflag:s10], $0x80  }
0x12: {  	[sflag:s10] =	ssyncset.done $0x0  }
0x13: {  	s30 =	sadd.s32 s5, s17;
	[sflag:s10] =	ssyncadd.s32 $0xFFFFFF80  }
0x14: {  	[tilespmem:s11], [sflag:$0x1] =	stream.linear.gather [hbm4b:s30+s19], $0x400, $0x38;
	[tilespmem:$0x1080] =	vst v63  }
0x15: {  	_ =	swait.ge [sflag:s10], $0x400  }
0x16: {  	[sflag:s10] =	ssyncset.done $0x0  }
0x17: {  	[sflag:s10] =	ssyncadd.s32 $0xFFFFFC00  }
0x18: {  	[tilespmem:s12], [sflag:$0x1] =	stream.indirect.gather [hbm4b:s1+s11], $0x4, s19, s11, $0xb8;
	[tilespmem:$0x1080] =	vst v63  }
0x19: {  	v1 =	vmov s19;
	_ =	swait.ge [sflag:s10], $0x200  }
0x1a: {  	v1 =	vshll.u32 v1, $0x3;
	[sflag:s10] =	ssyncset.done $0x0  }
0x1b: {  	v1 =	vor.u32 v0, v1;
	[sflag:s10] =	ssyncadd.s32 $0xFFFFFE00  }
0x1c: {  	[tilespmem:s13], [sflag:$0x1] =	stream.indirect.gather [hbm4b:s8+s11], $0x4, s19, s11, $0xb8;
	[tilespmem:$0x1080] =	vst v63  }
0x1d: {  	_ =	swait.ge [sflag:s10], $0x200  }
0x1e: {  	[sflag:s10] =	ssyncset.done $0x0  }
0x1f: {  	[sflag:s10] =	ssyncadd.s32 $0xFFFFFE00  }
0x20: {  	v2 =	vld.idx.msk [tilespmem:v1+s12+$0x0], $0xffff  }
0x21: {  	v3 =	vld.idx.msk [tilespmem:v1+s13+$0x0], $0xffff;
	_ =	sdelay $0x4  }
0x22: {  	v2 =	vadd.f32 v3, v2;
	_ =	sdelay $0x1  }
0x23: {  	v2 =	vadd.f32 $1.000000020e-16, v2;
	_ =	sdelay $0x1  }
0x24: {  	(erf) = vrcp.f32 v2;
	_ =	sdelay $0x4  }
0x25: {  	v2 =	vld.idx.msk [tilespmem:v1+s11+$0x0], $0xffff;
	_ =	sdelay $0x2  }
0x26: {  	v3 =	vor.u32 $0x1, v1  }
0x27: {  	v4 =	vpop (erf)  }
0x28: {  	v2 =	vmul.f32 v4, v2;
	_ =	sdelay $0x1  }
0x29: {  	[tilespmem:v1+s14+$0x0] =	vst.idx.msk $0xffff, v2  }
0x2a: {  	v2 =	vld.idx.msk [tilespmem:v3+s12+$0x0], $0xffff  }
0x2b: {  	v4 =	vld.idx.msk [tilespmem:v3+s13+$0x0], $0xffff;
	_ =	sdelay $0x4  }
0x2c: {  	v2 =	vadd.f32 v4, v2;
	_ =	sdelay $0x1  }
0x2d: {  	v2 =	vadd.f32 $1.000000020e-16, v2;
	_ =	sdelay $0x1  }
0x2e: {  	(erf) = vrcp.f32 v2;
	_ =	sdelay $0x4  }
0x2f: {  	v2 =	vld.idx.msk [tilespmem:v3+s11+$0x0], $0xffff;
	_ =	sdelay $0x2  }
0x30: {  	v4 =	vor.u32 $0x2, v1  }
0x31: {  	v5 =	vpop (erf)  }
0x32: {  	v2 =	vmul.f32 v5, v2;
	_ =	sdelay $0x1  }
0x33: {  	[tilespmem:v3+s14+$0x0] =	vst.idx.msk $0xffff, v2  }
0x34: {  	v2 =	vld.idx.msk [tilespmem:v4+s12+$0x0], $0xffff  }
0x35: {  	v3 =	vld.idx.msk [tilespmem:v4+s13+$0x0], $0xffff;
	_ =	sdelay $0x4  }
0x36: {  	v2 =	vadd.f32 v3, v2;
	_ =	sdelay $0x1  }
0x37: {  	v2 =	vadd.f32 $1.000000020e-16, v2;
	_ =	sdelay $0x1  }
0x38: {  	(erf) = vrcp.f32 v2;
	_ =	sdelay $0x4  }
0x39: {  	v2 =	vld.idx.msk [tilespmem:v4+s11+$0x0], $0xffff;
	_ =	sdelay $0x2  }
0x3a: {  	v1 =	vor.u32 $0x3, v1  }
0x3b: {  	v3 =	vpop (erf)  }
0x3c: {  	v2 =	vmul.f32 v3, v2;
	_ =	sdelay $0x1  }
0x3d: {  	[tilespmem:v4+s14+$0x0] =	vst.idx.msk $0xffff, v2  }
0x3e: {  	v2 =	vld.idx.msk [tilespmem:v1+s12+$0x0], $0xffff  }
0x3f: {  	v3 =	vld.idx.msk [tilespmem:v1+s13+$0x0], $0xffff;
	_ =	sdelay $0x4  }
0x40: {  	v2 =	vadd.f32 v3, v2;
	_ =	sdelay $0x1  }
0x41: {  	v3 =	vadd.f32 $1.000000020e-16, v2;
	_ =	sdelay $0x1  }
0x42: {  	(erf) = vrcp.f32 v3;
	_ =	sdelay $0x4  }
0x43: {  	s31 =	simm.s32 $0x10;
	v2 =	vld.idx.msk [tilespmem:v1+s11+$0x0], $0xffff  }
0x44: {  	v4 =	vmov s31  }
0x45: {  	s18 =	simm.s32 $0x20;
	v3 =	vshll.u32 v4, $0x3  }
.LBB2_3:
0x46: {  	p0 =	sne.s32 s18, $0x70;
	v3 =	vor.u32 v0, v3;
	s19 =	smov.u32 s18;
	s18 =	sadd.s32 $0x10, s18  }
0x47: {  	v4 =	vpop (erf)  }
0x48: {  	v2 =	vmul.f32 v4, v2;
	_ =	sdelay $0x1  }
0x49: {  	[tilespmem:v1+s14+$0x0] =	vst.idx.msk $0xffff, v2  }
0x4a: {  	v1 =	vld.idx.msk [tilespmem:v3+s12+$0x0], $0xffff  }
0x4b: {  	v2 =	vld.idx.msk [tilespmem:v3+s13+$0x0], $0xffff;
	_ =	sdelay $0x5  }
0x4c: {  	v1 =	vadd.f32 v2, v1;
	_ =	sdelay $0x1  }
0x4d: {  	v1 =	vadd.f32 $1.000000020e-16, v1;
	_ =	sdelay $0x1  }
0x4e: {  	(erf) = vrcp.f32 v1;
	_ =	sdelay $0x2  }
0x4f: {  	v1 =	vld.idx.msk [tilespmem:v3+s11+$0x0], $0xffff;
	_ =	sdelay $0x4  }
0x50: {  	v2 =	vor.u32 $0x1, v3  }
0x51: {  	v4 =	vpop (erf)  }
0x52: {  	v1 =	vmul.f32 v4, v1;
	_ =	sdelay $0x1  }
0x53: {  	[tilespmem:v3+s14+$0x0] =	vst.idx.msk $0xffff, v1  }
0x54: {  	v1 =	vld.idx.msk [tilespmem:v2+s12+$0x0], $0xffff  }
0x55: {  	v4 =	vld.idx.msk [tilespmem:v2+s13+$0x0], $0xffff;
	_ =	sdelay $0x5  }
0x56: {  	v1 =	vadd.f32 v4, v1;
	_ =	sdelay $0x1  }
0x57: {  	v1 =	vadd.f32 $1.000000020e-16, v1;
	_ =	sdelay $0x1  }
0x58: {  	(erf) = vrcp.f32 v1;
	_ =	sdelay $0x1  }
0x59: {  	v1 =	vld.idx.msk [tilespmem:v2+s11+$0x0], $0xffff;
	_ =	sdelay $0x5  }
0x5a: {  	v4 =	vor.u32 $0x2, v3  }
0x5b: {  	v5 =	vpop (erf)  }
0x5c: {  	v1 =	vmul.f32 v5, v1;
	_ =	sdelay $0x1  }
0x5d: {  	[tilespmem:v2+s14+$0x0] =	vst.idx.msk $0xffff, v1  }
0x5e: {  	v1 =	vld.idx.msk [tilespmem:v4+s12+$0x0], $0xffff  }
0x5f: {  	v2 =	vld.idx.msk [tilespmem:v4+s13+$0x0], $0xffff;
	_ =	sdelay $0x5  }
0x60: {  	v1 =	vadd.f32 v2, v1;
	_ =	sdelay $0x1  }
0x61: {  	v1 =	vadd.f32 $1.000000020e-16, v1;
	_ =	sdelay $0x1  }
0x62: {  	(erf) = vrcp.f32 v1  }
0x63: {  	v2 =	vld.idx.msk [tilespmem:v4+s11+$0x0], $0xffff;
	_ =	sdelay $0x6  }
0x64: {  	v1 =	vor.u32 $0x3, v3  }
0x65: {  	v3 =	vpop (erf)  }
0x66: {  	v2 =	vmul.f32 v3, v2;
	_ =	sdelay $0x1  }
0x67: {  	[tilespmem:v4+s14+$0x0] =	vst.idx.msk $0xffff, v2  }
0x68: {  	v3 =	vld.idx.msk [tilespmem:v1+s12+$0x0], $0xffff  }
0x69: {  	v4 =	vld.idx.msk [tilespmem:v1+s13+$0x0], $0xffff  }
0x6a: {  	v2 =	vld.idx.msk [tilespmem:v1+s11+$0x0], $0xffff;
	_ =	sdelay $0x4  }
0x6b: {  	v3 =	vadd.f32 v4, v3;
	_ =	sdelay $0x1  }
0x6c: {  	v3 =	vadd.f32 $1.000000020e-16, v3;
	_ =	sdelay $0x1  }
0x6d: {  	(erf) = vrcp.f32 v3;
	_ =	sdelay $0x2  }
.Ltmp0:
0x6e: {  	(pc) =	sbr.rel @p0 .LBB2_3-.Ltmp0, $3  }
0x6f: {  	_ =	sdelay $0x1  }
0x70: {  	v3 =	vmov s19  }
0x71: {  	v3 =	vshll.u32 v3, $0x3  }
0x72: {  	v3 =	vor.u32 v0, v3  }
0x73: {  	v4 =	vpop (erf)  }
0x74: {  	v2 =	vmul.f32 v4, v2;
	_ =	sdelay $0x1  }
0x75: {  	[tilespmem:v1+s14+$0x0] =	vst.idx.msk $0xffff, v2  }
0x76: {  	v1 =	vld.idx.msk [tilespmem:v3+s12+$0x0], $0xffff  }
0x77: {  	v2 =	vld.idx.msk [tilespmem:v3+s13+$0x0], $0xffff;
	_ =	sdelay $0x4  }
0x78: {  	v1 =	vadd.f32 v2, v1;
	_ =	sdelay $0x1  }
0x79: {  	v1 =	vadd.f32 $1.000000020e-16, v1;
	_ =	sdelay $0x1  }
0x7a: {  	(erf) = vrcp.f32 v1;
	_ =	sdelay $0x4  }
0x7b: {  	v1 =	vld.idx.msk [tilespmem:v3+s11+$0x0], $0xffff;
	_ =	sdelay $0x2  }
0x7c: {  	v2 =	vor.u32 $0x1, v3  }
0x7d: {  	v61 =	vpop (erf)  }
0x7e: {  	v1 =	vmul.f32 v61, v1;
	_ =	sdelay $0x1  }
0x7f: {  	[tilespmem:v3+s14+$0x0] =	vst.idx.msk $0xffff, v1  }
0x80: {  	v1 =	vld.idx.msk [tilespmem:v2+s12+$0x0], $0xffff  }
0x81: {  	v62 =	vld.idx.msk [tilespmem:v2+s13+$0x0], $0xffff;
	_ =	sdelay $0x4  }
0x82: {  	v1 =	vadd.f32 v62, v1;
	_ =	sdelay $0x1  }
0x83: {  	v1 =	vadd.f32 $1.000000020e-16, v1;
	_ =	sdelay $0x1  }
0x84: {  	(erf) = vrcp.f32 v1;
	_ =	sdelay $0x4  }
0x85: {  	v1 =	vld.idx.msk [tilespmem:v2+s11+$0x0], $0xffff;
	_ =	sdelay $0x2  }
0x86: {  	v63 =	vor.u32 $0x2, v3  }
0x87: {  	v5 =	vpop (erf)  }
0x88: {  	v1 =	vmul.f32 v5, v1;
	_ =	sdelay $0x1  }
0x89: {  	[tilespmem:v2+s14+$0x0] =	vst.idx.msk $0xffff, v1  }
0x8a: {  	v1 =	vld.idx.msk [tilespmem:v63+s12+$0x0], $0xffff  }
0x8b: {  	v2 =	vld.idx.msk [tilespmem:v63+s13+$0x0], $0xffff;
	_ =	sdelay $0x4  }
0x8c: {  	v1 =	vadd.f32 v2, v1;
	_ =	sdelay $0x1  }
0x8d: {  	v1 =	vadd.f32 $1.000000020e-16, v1;
	_ =	sdelay $0x1  }
0x8e: {  	(erf) = vrcp.f32 v1;
	_ =	sdelay $0x4  }
0x8f: {  	v1 =	vld.idx.msk [tilespmem:v63+s11+$0x0], $0xffff;
	_ =	sdelay $0x2  }
0x90: {  	v2 =	vor.u32 $0x3, v3  }
0x91: {  	v3 =	vpop (erf)  }
0x92: {  	v1 =	vmul.f32 v3, v1;
	_ =	sdelay $0x1  }
0x93: {  	[tilespmem:v63+s14+$0x0] =	vst.idx.msk $0xffff, v1  }
0x94: {  	v1 =	vld.idx.msk [tilespmem:v2+s12+$0x0], $0xffff  }
0x95: {  	v3 =	vld.idx.msk [tilespmem:v2+s13+$0x0], $0xffff;
	_ =	sdelay $0x4  }
0x96: {  	v1 =	vadd.f32 v3, v1;
	_ =	sdelay $0x1  }
0x97: {  	v1 =	vadd.f32 $1.000000020e-16, v1;
	_ =	sdelay $0x1  }
0x98: {  	(erf) = vrcp.f32 v1;
	_ =	sdelay $0x4  }
0x99: {  	v1 =	vld.idx.msk [tilespmem:v2+s11+$0x0], $0xffff;
	_ =	sdelay $0x3  }
0x9a: {  	v3 =	vpop (erf)  }
0x9b: {  	s16 =	sadd.s32 $0x1, s16;
	v1 =	vmul.f32 v3, v1  }
0x9c: {  	p0 =	sne.s32 s16, $0x51  }
.Ltmp1:
0x9d: {  	s17 =	sadd.s32 s6, s17;
	[tilespmem:v2+s14+$0x0] =	vst.idx.msk $0xffff, v1;
	(pc) =	sbr.rel @p0 .LBB2_2-.Ltmp1, $4  }
0x9e: {  	[hbm4b:s17+s2] =	stream.linear.scatter [tilespmem:s14], [sflag:$0x1], $0x400, $0x38;
	[tilespmem:$0x1080] =	vst v63  }
0x9f: {  	_ =	swait.ge [sflag:s10], $0x400  }
0xa0: {  	[sflag:s10] =	ssyncset.done $0x0  }
0xa1: {  	[sflag:s10] =	ssyncadd.s32 $0xFFFFFC00  }
0xa2: {  	s15 =	sadd.s32 $0x1, s15  }
0xa3: {  	p0 =	sne.s32 s15, s9  }
.Ltmp2:
0xa4: {  	_ = 	snop;
	(pc) =	sbr.rel @p0 .LBB2_1-.Ltmp2, $1  }
0xa5: {  	_ =	sdelay $0x3  }
0xa6: {  	_ =	sfence.sel $0x180000  }
0xa7: {  	[bflag:$0x0] =	sbarrier.arrive $0xFFFF  }
0xa8: {  	p0 =	sne.s32 s3, $0x0;
	_ =	strace $0x90000050  }
0xa9: {  	s0 =	sadd.s32 @!p0 $0x100000, s0;
	[bflag:$0x2] =	sbarrier.arrive $0xFFFF  }
0xaa: {  	[sflag:s0] =	ssyncadd.tile.s32 @!p0 $0x1;
	_ =	shalt  }
.Lfunc_end2:
_tile_overlayer_lowered:
.L_overlay_start_2:
0xab: {  	(tag) =	ssettag $0x2  }
0xac: {  	s0 =	rddreg [dreg:$0x0];
	s2 =	stileid.u32  }
0xad: {  	s1 =	rddreg [dreg:$0x1];
	p0 =	sne.s32 s2, $0x0  }
0xae: {  	s3 =	rddreg [dreg:$0x2];
	[bflag:$0x3] =	sbarrier.arrive $0xFFFF;
	s2 =	simm.s32 @!p0 $0x1C01  }
0xaf: {  	[timem:s3], [sflag:s2] =	dma.local @!p0 [hbm:s0], s1  }
0xb0: {  	s0 =	simm.s32 @!p0 $0x1  }
0xb1: {  	_ =	swait.ge @!p0 [sflag:s0], s1  }
0xb2: {  	s1 =	ssub.s32 @!p0 $0x0, s1;
	[sflag:s0] =	ssyncset.done @!p0 $0x0  }
0xb3: {  	[sflag:s0] =	ssyncadd.s32 @!p0 s1  }
0xb4: {  	[bflag:$0x3] =	sbarrier.arrive $0xFFFF  }
0xb5: {  	_ =	shalt  }

// kernel: kernel.7.cloned.1.call-start
scs
__scs_entry_jumppad:
0x0: {  	(pc) =	sbr.rel $0x88, $3  }
0x1: {  	(tag) =	ssettag $0x0;
	lr =	simm.s32 $0x1  }
0x2: {  	[smem:$0x3F9C] =	sst lr;
	_ =	strace $0xD0000000  }
0x3: {  	_ = 	snop  }
0x4: {  	_ = 	snop  }
0x5: {  	_ = 	snop  }
0x6: {  	_ = 	snop  }
0x7: {  	_ = 	snop  }
__scs_overlays_trampoline_lowered:
0x8: {  	[smem:$0x3FAB] =	sst s0  }
0x9: {  	[smem:$0x3FAC] =	sst s1  }
0xa: {  	[smem:$0x3FAD] =	sst s2  }
0xb: {  	[smem:$0x3FAE] =	sst s3  }
0xc: {  	[smem:$0x3FAF] =	sst s4  }
0xd: {  	[smem:$0x3FB0] =	sst s5  }
0xe: {  	[smem:$0x3FB1] =	sst s6  }
0xf: {  	[smem:$0x3FB2] =	sst s7  }
0x10: {  	[smem:$0x3FB3] =	sst s8  }
0x11: {  	[smem:$0x3FB4] =	sst s9;
	s0 =	simm.s32 @!p0 $0x0  }
0x12: {  	s1 =	sld [smem:$0x3F9A];
	s0 =	simm.s32 @p0 $0x1  }
0x13: {  	[smem:$0x3FB5] =	sst s0;
	s0 =	simm.s32 @!p1 $0x0  }
0x14: {  	s2 =	sld [smem:$0x3F99];
	s0 =	simm.s32 @p1 $0x1  }
0x15: {  	[smem:$0x3FB6] =	sst s0;
	s0 =	simm.s32 @!p2 $0x0  }
0x16: {  	s3 =	sld [smem:$0x3FDB];
	s0 =	simm.s32 @p2 $0x1  }
0x17: {  	s4 =	simm.s32 $0x1BF5;
	[smem:$0x3FB8] =	sst s0  }
0x18: {  	s0 =	sld [smem:$0x3F9B];
	_ =	swait.ge [sflag:s4], $0x0  }
0x19: {  	s7 =	sld [smem:$0x3F9C]  }
0x1a: {  	s8 =	sadd.s32 $0xFFFFE003, lr  }
0x1b: {  	s9 =	sadd.s32 $0xFFFFFEF7, lr;
	s5 =	simm.s32 $0xFFFFFFFF;
	p2 =	slt.u32 s8, $0xFFFFF086  }
0x1c: {  	p1 =	slt.u32 s9, $0xF7A;
	s5 =	simm.s32 @!p2 $0x0  }
0x1d: {  	s5 =	simm.s32 @p1 $0x1;
	p0 =	seq.s32 s7, s2  }
0x1e: {  	s7 =	smul.u32 @!p0 $0xF7A, s2;
	p2 =	seq.s32 @!p0 s5, $0x0  }
0x1f: {  	s9 =	smul.u32 $0xF7A, s1;
	s8 =	simm.s32 @!p0 $0x1BF5;
	p2 =	por !p2, p0  }
0x20: {  	[sflag:s8] =	ssyncset.s32 @!p0 $0xFFFFF086;
	s6 =	sadd.s32 @!p0 s3, s7;
	s7 =	simm.s32 @!p0 $0x108  }
0x21: {  	s3 =	sadd.s32 s3, s9;
	s6 =	sadd.s32 @!p0 $0x88, s6;
	s7 =	simm.s32 @p2 $0x1082  }
0x22: {  	[simem:s7], [sflag:s8] =	dma.local @!p0 [hbm:s6], $0xF7A  }
0x23: {  	s9 =	sor.u32 $0xD0000000, s2;
	s6 =	simm.s32 $0x108;
	_ =	swait.ge @!p0 [sflag:s8], $0x0  }
0x24: {  	s3 =	sadd.s32 $0x88, s3;
	s6 =	simm.s32 @!p1 $0x1082;
	[sflag:s4] =	ssyncset.s32 $0xFFFFF086  }
0x25: {  	[simem:s6], [sflag:s4] =	dma.local [hbm:s3], $0xF7A  }
0x26: {  	[smem:$0x3F9C] =	sst s1;
	(tag) =	ssettag s2;
	_ =	strace s9  }
0x27: {  	s1 =	sld [smem:$0x3FAC]  }
0x28: {  	s2 =	sld [smem:$0x3FAD]  }
0x29: {  	s4 =	sld [smem:$0x3FAF]  }
0x2a: {  	p0 =	seq.s32 s5, $0x0;
	s5 =	sld [smem:$0x3FB0]  }
0x2b: {  	s6 =	sld [smem:$0x3FB1]  }
0x2c: {  	s7 =	sld [smem:$0x3FB2]  }
0x2d: {  	s3 =	simm.s32 $0x108;
	s8 =	sld [smem:$0x3FB3]  }
0x2e: {  	s3 =	simm.s32 @!p0 $0x1082;
	s9 =	sld [smem:$0x3FB4]  }
0x2f: {  	lr =	sadd.s32 s0, s3;
	s0 =	sld [smem:$0x3FAB]  }
0x30: {  	s3 =	sld [smem:$0x3FAE]  }
0x31: {  	[smem:$0x3FB7] =	sst s10  }
0x32: {  	s10 =	sld [smem:$0x3FB5];
	_ =	sdelay $0x3  }
0x33: {  	p0 =	seq.s32 s10, $0x1;
	s10 =	sld [smem:$0x3FB7];
	_ =	sdelay $0x3  }
0x34: {  	[smem:$0x3FB7] =	sst s10  }
0x35: {  	s10 =	sld [smem:$0x3FB6];
	_ =	sdelay $0x3  }
0x36: {  	p1 =	seq.s32 s10, $0x1;
	s10 =	sld [smem:$0x3FB7];
	_ =	sdelay $0x3  }
0x37: {  	[smem:$0x3FB7] =	sst s10  }
0x38: {  	s10 =	sld [smem:$0x3FB8]  }
0x39: {  	_ = 	snop;
	(pc) =	sbr.ind lr, $3  }
0x3a: {  	_ = 	snop  }
0x3b: {  	_ = 	snop  }
0x3c: {  	p2 =	seq.s32 s10, $0x1;
	s10 =	sld [smem:$0x3FB7]  }
0x3d: {  	_ =	shalt  }
0x3e: {  	_ =	shalt  }
0x3f: {  	_ =	shalt  }
0x40: {  	_ =	shalt  }
0x41: {  	_ =	shalt  }
0x42: {  	_ =	shalt  }
0x43: {  	_ =	shalt  }
0x44: {  	_ =	shalt  }
0x45: {  	_ =	shalt  }
0x46: {  	_ =	shalt  }
0x47: {  	_ =	shalt  }
0x48: {  	_ =	shalt  }
0x49: {  	_ =	shalt  }
0x4a: {  	_ =	shalt  }
0x4b: {  	_ =	shalt  }
0x4c: {  	_ =	shalt  }
0x4d: {  	_ =	shalt  }
0x4e: {  	_ =	shalt  }
0x4f: {  	_ =	shalt  }
0x50: {  	_ =	shalt  }
0x51: {  	_ =	shalt  }
0x52: {  	_ =	shalt  }
0x53: {  	_ =	shalt  }
0x54: {  	_ =	shalt  }
0x55: {  	_ =	shalt  }
0x56: {  	_ =	shalt  }
0x57: {  	_ =	shalt  }
0x58: {  	_ =	shalt  }
0x59: {  	_ =	shalt  }
0x5a: {  	_ =	shalt  }
0x5b: {  	_ =	shalt  }
0x5c: {  	_ =	shalt  }
0x5d: {  	_ =	shalt  }
0x5e: {  	_ =	shalt  }
0x5f: {  	_ =	shalt  }
0x60: {  	_ =	shalt  }
0x61: {  	_ =	shalt  }
0x62: {  	_ =	shalt  }
0x63: {  	_ =	shalt  }
0x64: {  	_ =	shalt  }
0x65: {  	_ =	shalt  }
0x66: {  	_ =	shalt  }
0x67: {  	_ =	shalt  }
0x68: {  	_ =	shalt  }
0x69: {  	_ =	shalt  }
0x6a: {  	_ =	shalt  }
0x6b: {  	_ =	shalt  }
0x6c: {  	_ =	shalt  }
0x6d: {  	_ =	shalt  }
0x6e: {  	_ =	shalt  }
0x6f: {  	_ =	shalt  }
0x70: {  	_ =	shalt  }
0x71: {  	_ =	shalt  }
0x72: {  	_ =	shalt  }
0x73: {  	_ =	shalt  }
0x74: {  	_ =	shalt  }
0x75: {  	_ =	shalt  }
0x76: {  	_ =	shalt  }
0x77: {  	_ =	shalt  }
0x78: {  	_ =	shalt  }
0x79: {  	_ =	shalt  }
0x7a: {  	_ =	shalt  }
0x7b: {  	_ =	shalt  }
0x7c: {  	_ =	shalt  }
0x7d: {  	_ =	shalt  }
0x7e: {  	_ =	shalt  }
0x7f: {  	_ =	shalt  }
0x80: {  	_ =	shalt  }
0x81: {  	_ =	shalt  }
0x82: {  	_ =	shalt  }
0x83: {  	_ =	shalt  }
0x84: {  	_ =	shalt  }
0x85: {  	_ =	shalt  }
0x86: {  	_ =	shalt  }
0x87: {  	_ =	shalt  }
.Lfunc_end0:
.L_simem_size_0:
called_computation_lowered:
.L_overlay_start_0:
0x88: {  	s2 =	sld [smem:$0x3FD9]  }
0x89: {  	s3 =	sld [smem:$0x3FFE];
	_ =	sdelay $0x1  }
0x8a: {  	s1 =	srdreg.scid  }
0x8b: {  	s0 =	sand.u32 $0x1, s1  }
0x8c: {  	s14 =	sshll.u32 s0, $0xA;
	s2 =	sadd.s32 s3, s2  }
0x8d: {  	s2 =	sadd.s32 s2, s14  }
0x8e: {  	[smem:$0x3FC3] =	sst s2  }
0x8f: {  	_ = 	snop  }
0x90: {  	s2 =	sld [smem:$0x3FD0];
	_ =	sdelay $0x2  }
0x91: {  	s15 =	simm.s32 $0xA;
	s4 =	simm.s32 $0x10  }
0x92: {  	[smem:s4], [sflag:s15] =	dma.local [hbm:s2], $0x1  }
0x93: {  	_ =	swait.eq [sflag:s15], $0x1  }
0x94: {  	[sflag:s15] =	ssyncset.done $0x0  }
0x95: {  	s16 =	sld [smem:$0x10];
	[sflag:s15] =	ssyncadd.s32 $0xFFFFFFFF  }
0x96: {  	s17 =	sld [smem:$0x11];
	(tm) =	ssettm $0x1  }
0x97: {  	s18 =	sld [smem:$0x3FFB];
	_ =	sdelay $0x3  }
0x98: {  	_ =	strace s18  }
0x99: {  	s4 =	sld [smem:$0x3FFC];
	_ =	sdelay $0x3  }
0x9a: {  	_ =	strace s4  }
0x9b: {  	s4 =	sld [smem:$0x3FFD];
	_ =	sdelay $0x3  }
0x9c: {  	_ =	strace s4  }
0x9d: {  	_ =	strace $0x8FFFFFFF  }
0x9e: {  	s19 =	sld [smem:$0x3FDB];
	_ =	sdelay $0x1  }
0x9f: {  	s5 =	simm.s32 $_scs_section_size  }
0xa0: {  	s6 =	simm.s32 $_size__tile_overlayer_lowered;
	s7 =	simm.s32 $_tile_overlayer_lowered  }
0xa1: {  	s22 =	simm.s32 $0x1BFF;
	s21 =	sshll.u32 s7, $0x1;
	s4 =	sadd.s32 s5, s19  }
0xa2: {  	s8 =	simm.s32 $0x0;
	s20 =	sshll.u32 s6, $0x1;
	s6 =	sadd.s32 s21, s4  }
0xa3: {  	[timem:s8], [sflag:s22] =	dma.local [hbm:s6], s20  }
0xa4: {  	_ =	swait.ge [sflag:s22], s20  }
0xa5: {  	s5 =	ssub.s32 $0x0, s20;
	[sflag:s22] =	ssyncset.done $0x0  }
0xa6: {  	[sflag:s22] =	ssyncadd.s32 s5;
	_ =	sdelay $0x1  }
0xa7: {  	s23 =	simm.s32 $0x1B8B  }
0xa8: {  	_ =	swait.ge [sflag:s23], $0x1  }
0xa9: {  	[sflag:s23] =	ssyncset.done $0x0  }
0xaa: {  	s25 =	simm.s32 $0x1B8E;
	s24 =	sld [smem:$0x3FFE];
	[sflag:s23] =	ssyncadd.s32 $0xFFFFFFFF  }
0xab: {  	s26 =	simm.s32 $execute0_lowered;
	[smem:$0x3FD2] =	sst s25  }
0xac: {  	s6 =	sshll.u32 s26, $0x1;
	_ =	strace $0x80000046;
	[dreg:$0x1] =	wrdreg $0xFFFFFFFF  }
0xad: {  	s28 =	simm.s32 $_size_execute0_lowered;
	s4 =	sadd.s32 s4, s6;
	[dreg:$0x0] =	wrdreg $0x0  }
0xae: {  	s6 =	sshll.u32 s28, $0x1;
	[dreg:$0x2] =	wrdreg s4  }
0xaf: {  	[dreg:$0x3] =	wrdreg s6  }
0xb0: {  	[dreg:$0x4] =	wrdreg $0xC0  }
0xb1: {  	_ =	task [dreg:s8], $0x5FFFF  }
0xb2: {  	[dreg:$0x1] =	wrdreg $0xFFFFFFFF  }
0xb3: {  	[dreg:$0x0] =	wrdreg $0x60  }
0xb4: {  	[dreg:$0x2] =	wrdreg s24  }
0xb5: {  	[dreg:$0x3] =	wrdreg s17  }
0xb6: {  	[dreg:$0x4] =	wrdreg s16  }
0xb7: {  	[dreg:$0x5] =	wrdreg $0x9  }
0xb8: {  	_ =	task.clear_ibuf [dreg:s8], $0x6FFFF;
	_ =	strace $0x90000046  }
0xb9: {  	s29 =	simm.s32 $0x9;
	_ =	strace $0x80000048  }
0xba: {  	_ =	swait.ge [sflag:s29], $0x1  }
0xbb: {  	[sflag:s29] =	ssyncadd.s32 $0xFFFFFFFF  }
0xbc: {  	_ =	strace $0x90000048  }
0xbd: {  	_ =	sfence  }
0xbe: {  	s30 =	sld [smem:$0x0];
	_ =	sdelay $0x2  }
0xbf: {  	s31 =	sshll.u32 s1, $0xD;
	s1 =	sshrl.u32 s1, $0x2  }
0xc0: {  	s3 =	sand.u32 $0x4000, s31;
	s1 =	sadd.s32 s1, s30  }
0xc1: {  	s0 =	sor.u32 s3, s0;
	s1 =	sshll.u32 s1, $0x11  }
0xc2: {  	s0 =	sor.u32 s1, s0  }
0xc3: {  	s0 =	sadd.s32 $0x8F2B, s0  }
0xc4: {  	[sflag:s0] =	ssyncadd.remote.s32 $0x1  }
0xc5: {  	_ =	sfence.sel $0xFFFF  }
0xc6: {  	[dreg:$0x0] =	wrdreg $0xFFFFFFFF;
	(pc) =	sbr.abs _section_cstart, $3  }
0xc7: {  	[dreg:$0x1] =	wrdreg $0xFFFFFFFF  }
0xc8: {  	_ =	task.clear_ibuf [dreg:s8], $0x2FFFF;
	_ =	strace $0x9FFFFFFF  }
0xc9: {  	(tm) =	ssettm $0x7FFFFFFF  }
tec
execute0_lowered:
.L_overlay_start_1:
0x0: {  	(tag) =	ssettag $0x1  }
0x1: {  	v0 =	vimm.s32 $0xEDCBA987  }
0x2: {  	v1 =	vimm.s32 $0x65432100;
	v2 =	vimm.s32 $0xE40000;
	v0 =	vunpack.c.l.s4.s8 v0  }
0x3: {  	v3 =	vimm.s32 $0xDCBA9876;
	v1 =	vunpack.c.l.s4.s8 v1;
	v2 =	vunpack.c.l.s2.s4 v2  }
0x4: {  	s6 =	rddreg [dreg:$0x0];
	v4 =	vimm.s32 $0x54321000;
	v5 =	vimm.s32 $0x7060504;
	v0 =	vunpack.c.0.s8.s32 v0  }
0x5: {  	s0 =	rddreg [dreg:$0x1];
	vm0 =	vcmask $0x3F30;
	v1 =	vunpack.c.0.s8.s32 v1;
	v2 =	vunpack.c.l.s4.s8 v2  }
0x6: {  	s8 =	rddreg [dreg:$0x2];
	v3 =	vunpack.c.l.s4.s8 v3;
	v4 =	vunpack.c.l.s4.s8 v4;
	v0 =	vand.u32 $0xF, v0  }
0x7: {  	s1 =	rddreg [dreg:$0x3];
	v2 =	vunpack.c.0.s8.s32 v2;
	v0 =	vcombine.low v1, v0;
	v1 =	vimm.s32 $0x32100000  }
0x8: {  	s3 =	simm.s32 $0x0;
	s4 =	srdreg.scid;
	s2 =	stileid.u32;
	v5 =	vunpack.c.0.s8.s32 v5;
	v6 =	vunpack.c.l.s4.s8 v1;
	v1 =	vimm.s32 $0xBA987654  }
0x9: {  	s12 =	simm.s32 $0x80;
	s13 =	simm.s32 $0xA180;
	s14 =	simm.s32 $0xA580;
	v3 =	vunpack.c.0.s8.s32 v3;
	v7 =	vunpack.c.l.s4.s8 v1;
	v1 =	vand.u32 $0x3, v2  }
0xa: {  	[smem:$0x7FF] =	sst s3;
	s4 =	sand.u32 $0x1, s4;
	s5 =	sshll.u32 s2, $0x1;
	v2 =	vimm.s32 $0xFFEDCBA9;
	v1 =	vsel vm0, v5, v1;
	v5 =	vimm.s32 $0x87654321  }
0xb: {  	s15 =	simm.s32 $0x0;
	_ =	strace $0x80000047;
	s9 =	sor.u32 s4, s5;
	v4 =	vunpack.c.0.s8.s32 v4;
	v2 =	vunpack.c.l.s4.s8 v2;
	v5 =	vunpack.c.l.s4.s8 v5  }
0xc: {  	s7 =	ssub.s32 $0x2, s4;
	s4 =	sadd.s32 $0x1800, s6;
	s11 =	smul.u32 $0x1400, s9;
	v3 =	vand.u32 $0xF, v3;
	v6 =	vunpack.c.0.s8.s32 v6;
	v7 =	vunpack.c.0.s8.s32 v7  }
0xd: {  	s5 =	sadd.s32 $0xE200, s6;
	s6 =	sadd.s32 $0xBA00, s6;
	s10 =	sshrl.u32 s7, $0x1;
	vm0 =	vcmask $0x3F3C;
	v8 =	vunpack.c.0.s8.s32 v2;
	v9 =	vunpack.c.0.s8.s32 v5  }
0xe: {  	s10 =	ssub.s32 s7, s10;
	s7 =	smul.u32 $0x2880, s9;
	s8 =	sadd.s32 s8, s11;
	v2 =	vcombine.low v4, v3;
	v3 =	vimm.f32 $-3.399999950e+38;
	v7 =	vand.u32 $0xF, v7  }
0xf: {  	s9 =	smax.u32 s10, $0x1;
	s10 =	simm.s32 $0x1;
	s11 =	simm.s32 $0xA080;
	v5 =	vlaneseq.u32;
	v4 =	vcombine.low v6, v7;
	v6 =	vcombine.low v9, v8  }
.LBB2_1:
0x10: {  	s16 =	simm.s32 $0x40;
	s17 =	simm.s32 $0x0  }
.LBB2_2:
0x11: {  	p0 =	sne.s32 s16, $0x27FC0;
	[tilespmem:s17+$0x0] =	vst v3;
	s17 =	smov.u32 s16;
	s16 =	sadd.s32 $0x40, s16  }
.Ltmp0:
0x12: {  	(pc) =	sbr.rel @p0 .LBB2_2-.Ltmp0, $2  }
0x13: {  	_ =	sdelay $0x2  }
0x14: {  	s17 =	sshra.s32 s17, $0x2  }
0x15: {  	[tilespmem:s17+$0x0] =	vst v3;
	s16 =	simm.s32 $0x0;
	s17 =	simm.s32 $0x0  }
.LBB2_4:
0x16: {  	s18 =	sshll.u32 s17, $0x7  }
0x17: {  	s18 =	sadd.s32 s7, s18  }
0x18: {  	s19 =	sshrl.u32 s18, $0x3  }
0x19: {  	s18 =	simm.s32 $0xA000;
	s20 =	sadd.s32 s4, s19  }
0x1a: {  	[tilespmem:s18], [sflag:$0x1] =	stream.linear.gather [hbm4b:s20+s16], $0x80, $0x38;
	[tilespmem:$0xA980] =	vst v63  }
0x1b: {  	_ =	swait.ge [sflag:s10], $0x80  }
0x1c: {  	[sflag:s10] =	ssyncset.done $0x0  }
0x1d: {  	s30 =	sadd.s32 s0, s19;
	[sflag:s10] =	ssyncadd.s32 $0xFFFFFF80  }
0x1e: {  	[tilespmem:s11], [sflag:$0x1] =	stream.linear.gather [hbm4b:s30+s16], $0x80, $0x38;
	[tilespmem:$0xA980] =	vst v63  }
0x1f: {  	_ =	swait.ge [sflag:s10], $0x80  }
0x20: {  	[sflag:s10] =	ssyncset.done $0x0  }
0x21: {  	s31 =	sadd.s32 s5, s19;
	s19 =	simm.s32 $0xA100;
	[sflag:s10] =	ssyncadd.s32 $0xFFFFFF80  }
0x22: {  	[tilespmem:s19], [sflag:$0x1] =	stream.linear.gather [hbm4b:s31+s16], $0x80, $0x38;
	[tilespmem:$0xA980] =	vst v63  }
0x23: {  	_ =	swait.ge [sflag:s10], $0x80  }
0x24: {  	[sflag:s10] =	ssyncset.done $0x0  }
0x25: {  	[sflag:s10] =	ssyncadd.s32 $0xFFFFFF80  }
0x26: {  	[tilespmem:s13], [sflag:$0x1] =	stream.indirect.gather [hbm4b:s6+s12], $0x8, s18, s12, $0xb8;
	[tilespmem:$0xA980] =	vst v63  }
0x27: {  	_ =	swait.ge [sflag:s10], $0x400  }
0x28: {  	[sflag:s10] =	ssyncset.done $0x0  }
0x29: {  	[sflag:s10] =	ssyncadd.s32 $0xFFFFFC00  }
0x2a: {  	[tilespmem:s14], [sflag:$0x1] =	stream.indirect.gather [hbm4b:s6+s12], $0x8, s11, s12, $0xb8;
	[tilespmem:$0xA980] =	vst v63  }
0x2b: {  	_ =	swait.ge [sflag:s10], $0x400  }
0x2c: {  	[sflag:s10] =	ssyncset.done $0x0  }
0x2d: {  	[sflag:s10] =	ssyncadd.s32 $0xFFFFFC00  }
0x2e: {  	v7 =	vld [tilespmem:s18+$0x0];
	_ =	sdelay $0x4  }
0x2f: {  	v7 =	vxor.u32 $0x80000000, v7  }
0x30: {  	(xrf1) =	vsort.ascd.msk.u32 $0xffff, v7, v5;
	_ =	sdelay $0xd  }
0x31: {  	v7, v8, _ =	vpop (xrf1)  }
0x32: {  	v9 =	vadd.s32 s16, v8  }
0x33: {  	v9 =	vshll.u32 v9, $0x3  }
0x34: {  	v10 =	vor.u32 $0x4, v9;
	_ =	sdelay $0x2  }
0x35: {  	v11 =	vld [tilespmem:s19+$0x0]  }
0x36: {  	v12 =	vld.idx.msk [tilespmem:v9+s13+$0x0], $0xffff  }
0x37: {  	v10 =	vld.idx.msk [tilespmem:v10+s14+$0x0], $0xffff  }
0x38: {  	v13 =	vor.u32 $0x5, v9  }
0x39: {  	v14 =	vor.u32 $0x1, v9;
	_ =	sdelay $0x1  }
0x3a: {  	v8 =	vperm.xlane v11, v8  }
0x3b: {  	v10 =	vadd.f32 v10, v12  }
0x3c: {  	v8 =	vand.u32 $0x7FFFFFFF, v8;
	v11 =	vld.idx.msk [tilespmem:v13+s14+$0x0], $0xffff  }
0x3d: {  	v36 =	vld.idx.msk [tilespmem:v14+s13+$0x0], $0xffff;
	v10 =	vmul.f32 v10, v8  }
0x3e: {  	v37 =	vor.u32 $0x6, v9  }
0x3f: {  	v15 =	vor.u32 $0x2, v9;
	v38 =	vmul.f32 $2.000000030e-01, v10  }
0x40: {  	vm1 =	vge.f32 v10, $0.0e+00  }
0x41: {  	v10 =	vsel vm1, v10, v38  }
0x42: {  	v39 =	vxor.u32 $0x80000000, v7;
	v11 =	vadd.f32 v11, v36;
	v10 =	vmul.f32 $1.000000000e+02, v10  }
0x43: {  	v40 =	vperm.xlane v39, v0;
	v41 =	vor.u32 $0x7, v9;
	v13 =	vld.idx.msk [tilespmem:v37+s14+$0x0], $0xffff  }
0x44: {  	v9 =	vor.u32 $0x3, v9;
	v15 =	vld.idx.msk [tilespmem:v15+s13+$0x0], $0xffff;
	v11 =	vmul.f32 v11, v8;
	v17 =	vperm.xlane v10, v0  }
0x45: {  	v7 =	vshll.u32 v7, $0x2;
	v16 =	vperm.xlane v39, v6  }
0x46: {  	vm2 =	veq.s32 v40, v39;
	v43 =	vmul.f32 $2.000000030e-01, v11;
	v42 =	vmax.f32 v10, v17  }
0x47: {  	v44 =	vperm.xlane v39, v2;
	vm3 =	vge.f32 v11, $0.0e+00;
	v10 =	vsel vm2, v42, v10  }
0x48: {  	v47 =	vld.idx.msk [tilespmem:v41+s14+$0x0], $0xffff;
	vm1 =	vne.s32 v39, v16;
	v11 =	vsel vm3, v11, v43;
	v18 =	vperm.xlane v10, v2  }
0x49: {  	v9 =	vld.idx.msk [tilespmem:v9+s13+$0x0], $0xffff;
	v13 =	vadd.f32 v13, v15;
	vm1 =	vmor vm1, vm0;
	v11 =	vmul.f32 $1.000000000e+02, v11  }
0x4a: {  	v45 =	vperm.xlane v39, v4;
	vm3 =	veq.s32 v44, v39;
	v46 =	vmax.f32 v10, v18  }
0x4b: {  	v13 =	vmul.f32 v13, v8;
	v48 =	vperm.xlane v11, v0;
	v10 =	vsel vm3, v46, v10  }
0x4c: {  	v50 =	vperm.xlane v39, v1;
	vm4 =	veq.s32 v45, v39;
	v49 =	vperm.xlane v10, v4  }
0x4d: {  	v51 =	vmul.f32 $2.000000030e-01, v13;
	vm5 =	vge.f32 v13, $0.0e+00;
	v15 =	vmax.f32 v11, v48  }
0x4e: {  	v9 =	vadd.f32 v47, v9;
	v11 =	vsel vm2, v15, v11;
	v16 =	vmax.f32 v10, v49  }
0x4f: {  	v13 =	vsel vm5, v13, v51;
	v52 =	vld.idx.msk [tilespmem:v7+s3+$0x0], vm1;
	v53 =	vperm.xlane v11, v2;
	v10 =	vsel vm4, v16, v10  }
0x50: {  	v54 =	vor.u32 $0x1, v7;
	v13 =	vmul.f32 $1.000000000e+02, v13;
	v19 =	vperm.xlane v10, v1  }
0x51: {  	vm15 =	veq.s32 v50, v39;
	v8 =	vmul.f32 v9, v8;
	v55 =	vmax.f32 v11, v53  }
0x52: {  	v57 =	vperm.xlane v13, v0;
	v11 =	vsel vm3, v55, v11;
	v56 =	vmax.f32 v10, v19  }
0x53: {  	v9 =	vsel vm15, v56, v10;
	v10 =	vperm.xlane v11, v4  }
0x54: {  	v58 =	vmul.f32 $2.000000030e-01, v8;
	v14 =	vmax.f32 v13, v57;
	v9 =	vmax.f32 v52, v9  }
0x55: {  	vm6 =	vge.f32 v8, $0.0e+00;
	[tilespmem:v7+s3+$0x0] =	vst.idx.msk vm1, v9;
	v9 =	vmax.f32 v11, v10;
	v10 =	vsel vm2, v14, v13  }
0x56: {  	v8 =	vsel vm6, v8, v58;
	v59 =	vld.idx.msk [tilespmem:v54+s3+$0x0], vm1;
	v9 =	vsel vm4, v9, v11;
	v11 =	vperm.xlane v10, v2  }
0x57: {  	v8 =	vmul.f32 $1.000000000e+02, v8;
	v60 =	vperm.xlane v9, v1  }
0x58: {  	v61 =	vor.u32 $0x2, v7;
	v11 =	vmax.f32 v10, v11  }
0x59: {  	v14 =	vmax.f32 v9, v60;
	v10 =	vsel vm3, v11, v10;
	v11 =	vperm.xlane v8, v0  }
0x5a: {  	v9 =	vsel vm15, v14, v9;
	v62 =	vperm.xlane v10, v4  }
0x5b: {  	v9 =	vmax.f32 v59, v9;
	v11 =	vmax.f32 v8, v11  }
0x5c: {  	[tilespmem:v54+s3+$0x0] =	vst.idx.msk vm1, v9;
	v9 =	vmax.f32 v10, v62;
	v8 =	vsel vm2, v11, v8  }
0x5d: {  	v11 =	vld.idx.msk [tilespmem:v61+s3+$0x0], vm1;
	v9 =	vsel vm4, v9, v10;
	v10 =	vperm.xlane v8, v2  }
0x5e: {  	v63 =	vperm.xlane v9, v1  }
0x5f: {  	v7 =	vor.u32 $0x3, v7;
	v10 =	vmax.f32 v8, v10  }
0x60: {  	v12 =	vmax.f32 v9, v63;
	v8 =	vsel vm3, v10, v8  }
0x61: {  	v9 =	vsel vm15, v12, v9;
	v10 =	vperm.xlane v8, v4  }
0x62: {  	v9 =	vmax.f32 v11, v9  }
0x63: {  	[tilespmem:v61+s3+$0x0] =	vst.idx.msk vm1, v9;
	v9 =	vmax.f32 v8, v10  }
0x64: {  	v10 =	vld.idx.msk [tilespmem:v7+s3+$0x0], vm1;
	v8 =	vsel vm4, v9, v8  }
0x65: {  	v9 =	vperm.xlane v8, v1;
	_ =	sdelay $0x1  }
0x66: {  	v9 =	vmax.f32 v8, v9  }
0x67: {  	v8 =	vsel vm15, v9, v8  }
0x68: {  	s20 =	simm.s32 $0x10;
	v8 =	vmax.f32 v10, v8  }
.LBB2_5:
0x69: {  	p0 =	sne.s32 s20, $0x70;
	[tilespmem:v7+s3+$0x0] =	vst.idx.msk vm1, v8;
	s18 =	sadd.s32 $0x10, s18;
	s19 =	sadd.s32 $0x10, s19  }
0x6a: {  	s21 =	smov.u32 s20;
	s20 =	sadd.s32 $0x10, s20;
	v7 =	vld [tilespmem:s18+$0x0];
	_ =	sdelay $0x4  }
0x6b: {  	v7 =	vxor.u32 $0x80000000, v7  }
0x6c: {  	(xrf1) =	vsort.ascd.msk.u32 $0xffff, v7, v5;
	_ =	sdelay $0x9  }
0x6d: {  	v7 =	vld [tilespmem:s19+$0x0];
	_ =	sdelay $0x3  }
0x6e: {  	v8, v9, _ =	vpop (xrf1)  }
0x6f: {  	v10 =	vxor.u32 $0x80000000, v8;
	v11 =	vadd.s32 s21, v9;
	v7 =	vperm.xlane v7, v9  }
0x70: {  	v9 =	vshll.u32 v11, $0x3;
	v11 =	vperm.xlane v10, v0;
	v12 =	vperm.xlane v10, v6  }
0x71: {  	v13 =	vor.u32 $0x4, v9;
	v14 =	vor.u32 $0x1, v9;
	v15 =	vor.u32 $0x5, v9  }
0x72: {  	v16 =	vor.u32 $0x2, v9;
	v17 =	vor.u32 $0x6, v9;
	vm1 =	vne.s32 v10, v12  }
0x73: {  	v19 =	vperm.xlane v10, v2;
	v18 =	vor.u32 $0x7, v9;
	v12 =	vor.u32 $0x3, v9  }
0x74: {  	v20 =	vperm.xlane v10, v4;
	v21 =	vperm.xlane v10, v1  }
0x75: {  	v9 =	vld.idx.msk [tilespmem:v9+s13+$0x0], $0xffff  }
0x76: {  	v13 =	vld.idx.msk [tilespmem:v13+s14+$0x0], $0xffff;
	_ =	sdelay $0x5  }
0x77: {  	v9 =	vadd.f32 v13, v9  }
0x78: {  	v7 =	vand.u32 $0x7FFFFFFF, v7;
	v13 =	vld.idx.msk [tilespmem:v15+s14+$0x0], $0xffff  }
0x79: {  	v9 =	vmul.f32 v9, v7;
	v14 =	vld.idx.msk [tilespmem:v14+s13+$0x0], $0xffff;
	_ =	sdelay $0x1  }
0x7a: {  	v15 =	vmul.f32 $2.000000030e-01, v9  }
0x7b: {  	vm2 =	vge.f32 v9, $0.0e+00  }
0x7c: {  	v9 =	vsel vm2, v9, v15  }
0x7d: {  	v9 =	vmul.f32 $1.000000000e+02, v9  }
0x7e: {  	v13 =	vadd.f32 v13, v14  }
0x7f: {  	v15 =	vperm.xlane v9, v0;
	v14 =	vld.idx.msk [tilespmem:v17+s14+$0x0], $0xffff  }
0x80: {  	v13 =	vmul.f32 v13, v7;
	v16 =	vld.idx.msk [tilespmem:v16+s13+$0x0], $0xffff  }
0x81: {  	vm2 =	veq.s32 v11, v10;
	v11 =	vmax.f32 v9, v15  }
0x82: {  	v15 =	vmul.f32 $2.000000030e-01, v13;
	v9 =	vsel vm2, v11, v9  }
0x83: {  	vm1 =	vmor vm1, vm0;
	vm3 =	vge.f32 v13, $0.0e+00;
	v11 =	vperm.xlane v9, v2  }
0x84: {  	v8 =	vshll.u32 v8, $0x2;
	v13 =	vsel vm3, v13, v15  }
0x85: {  	vm3 =	veq.s32 v19, v10;
	v13 =	vmul.f32 $1.000000000e+02, v13;
	v11 =	vmax.f32 v9, v11  }
0x86: {  	v14 =	vadd.f32 v14, v16;
	v9 =	vsel vm3, v11, v9  }
0x87: {  	v15 =	vperm.xlane v13, v0;
	v16 =	vperm.xlane v9, v4;
	v11 =	vld.idx.msk [tilespmem:v18+s14+$0x0], $0xffff  }
0x88: {  	v14 =	vmul.f32 v14, v7;
	v12 =	vld.idx.msk [tilespmem:v12+s13+$0x0], $0xffff  }
0x89: {  	vm4 =	veq.s32 v20, v10;
	v15 =	vmax.f32 v13, v15;
	v16 =	vmax.f32 v9, v16;
	v17 =	vld.idx.msk [tilespmem:v8+s3+$0x0], vm1  }
0x8a: {  	v18 =	vmul.f32 $2.000000030e-01, v14;
	v13 =	vsel vm2, v15, v13;
	v9 =	vsel vm4, v16, v9  }
0x8b: {  	vm5 =	vge.f32 v14, $0.0e+00;
	v15 =	vperm.xlane v13, v2;
	v16 =	vperm.xlane v9, v1  }
0x8c: {  	v14 =	vsel vm5, v14, v18;
	vm5 =	veq.s32 v21, v10;
	v10 =	vor.u32 $0x1, v8  }
0x8d: {  	v14 =	vmul.f32 $1.000000000e+02, v14;
	v15 =	vmax.f32 v13, v15;
	v16 =	vmax.f32 v9, v16  }
0x8e: {  	v11 =	vadd.f32 v11, v12;
	v12 =	vsel vm3, v15, v13;
	v9 =	vsel vm5, v16, v9  }
0x8f: {  	v13 =	vperm.xlane v14, v0;
	v15 =	vperm.xlane v12, v4;
	v9 =	vmax.f32 v17, v9  }
0x90: {  	v7 =	vmul.f32 v11, v7;
	[tilespmem:v8+s3+$0x0] =	vst.idx.msk vm1, v9  }
0x91: {  	v9 =	vmax.f32 v14, v13;
	v11 =	vmax.f32 v12, v15;
	v13 =	vld.idx.msk [tilespmem:v10+s3+$0x0], vm1  }
0x92: {  	v15 =	vmul.f32 $2.000000030e-01, v7;
	v9 =	vsel vm2, v9, v14;
	v11 =	vsel vm4, v11, v12  }
0x93: {  	vm6 =	vge.f32 v7, $0.0e+00;
	v12 =	vperm.xlane v9, v2;
	v14 =	vperm.xlane v11, v1  }
0x94: {  	v7 =	vsel vm6, v7, v15;
	v15 =	vor.u32 $0x2, v8  }
0x95: {  	v7 =	vmul.f32 $1.000000000e+02, v7;
	v12 =	vmax.f32 v9, v12;
	v14 =	vmax.f32 v11, v14  }
0x96: {  	v9 =	vsel vm3, v12, v9;
	v11 =	vsel vm5, v14, v11  }
0x97: {  	v12 =	vperm.xlane v7, v0;
	v14 =	vperm.xlane v9, v4;
	v11 =	vmax.f32 v13, v11  }
0x98: {  	[tilespmem:v10+s3+$0x0] =	vst.idx.msk vm1, v11  }
0x99: {  	v10 =	vmax.f32 v7, v12;
	v11 =	vmax.f32 v9, v14;
	v12 =	vld.idx.msk [tilespmem:v15+s3+$0x0], vm1  }
0x9a: {  	v10 =	vsel vm2, v10, v7;
	v9 =	vsel vm4, v11, v9  }
0x9b: {  	v11 =	vperm.xlane v10, v2;
	v13 =	vperm.xlane v9, v1  }
0x9c: {  	v7 =	vor.u32 $0x3, v8  }
0x9d: {  	v8 =	vmax.f32 v10, v11;
	v11 =	vmax.f32 v9, v13  }
0x9e: {  	v8 =	vsel vm3, v8, v10;
	v9 =	vsel vm5, v11, v9  }
0x9f: {  	v10 =	vperm.xlane v8, v4;
	v9 =	vmax.f32 v12, v9  }
0xa0: {  	[tilespmem:v15+s3+$0x0] =	vst.idx.msk vm1, v9  }
0xa1: {  	v9 =	vmax.f32 v8, v10;
	v10 =	vld.idx.msk [tilespmem:v7+s3+$0x0], vm1  }
0xa2: {  	v8 =	vsel vm4, v9, v8  }
.Ltmp1:
0xa3: {  	v9 =	vperm.xlane v8, v1;
	(pc) =	sbr.rel @p0 .LBB2_5-.Ltmp1, $4  }
0xa4: {  	_ = 	snop  }
0xa5: {  	v9 =	vmax.f32 v8, v9  }
0xa6: {  	v8 =	vsel vm5, v9, v8  }
0xa7: {  	v8 =	vmax.f32 v10, v8  }
0xa8: {  	s17 =	sadd.s32 $0x1, s17  }
0xa9: {  	p0 =	sne.s32 s17, $0x51  }
.Ltmp2:
0xaa: {  	_ = 	snop;
	(pc) =	sbr.rel @p0 .LBB2_4-.Ltmp2, $2  }
0xab: {  	_ =	sdelay $0x2  }
0xac: {  	[tilespmem:v7+s3+$0x0] =	vst.idx.msk vm1, v8  }
0xad: {  	s15 =	sadd.s32 $0x1, s15  }
0xae: {  	p0 =	sne.s32 s15, s9  }
.Ltmp3:
0xaf: {  	_ = 	snop;
	(pc) =	sbr.rel @p0 .LBB2_1-.Ltmp3, $4  }
0xb0: {  	[hbm4b:s8+s3] =	stream.linear.scatter [tilespmem:s3], [sflag:$0x1], $0xA000, $0x38;
	[tilespmem:$0xA980] =	vst v63  }
0xb1: {  	_ =	swait.ge [sflag:s10], $0xA000  }
0xb2: {  	[sflag:s10] =	ssyncset.done $0x0  }
0xb3: {  	[sflag:s10] =	ssyncadd.s32 $0xFFFF6000  }
0xb4: {  	_ =	sfence.sel $0x180000  }
0xb5: {  	[bflag:$0x0] =	sbarrier.arrive $0xFFFF  }
0xb6: {  	p0 =	sne.s32 s2, $0x0;
	_ =	strace $0x90000047  }
0xb7: {  	s0 =	sadd.s32 @!p0 $0x100000, s1;
	[bflag:$0x2] =	sbarrier.arrive $0xFFFF  }
0xb8: {  	[sflag:s0] =	ssyncadd.tile.s32 @!p0 $0x1;
	_ =	shalt  }
.Lfunc_end2:
_tile_overlayer_lowered:
.L_overlay_start_2:
0xb9: {  	(tag) =	ssettag $0x2  }
0xba: {  	s0 =	rddreg [dreg:$0x0];
	s2 =	stileid.u32  }
0xbb: {  	s1 =	rddreg [dreg:$0x1];
	p0 =	sne.s32 s2, $0x0  }
0xbc: {  	s3 =	rddreg [dreg:$0x2];
	[bflag:$0x3] =	sbarrier.arrive $0xFFFF;
	s2 =	simm.s32 @!p0 $0x1C01  }
0xbd: {  	[timem:s3], [sflag:s2] =	dma.local @!p0 [hbm:s0], s1  }
0xbe: {  	s0 =	simm.s32 @!p0 $0x1  }
0xbf: {  	_ =	swait.ge @!p0 [sflag:s0], s1  }
0xc0: {  	s1 =	ssub.s32 @!p0 $0x0, s1;
	[sflag:s0] =	ssyncset.done @!p0 $0x0  }
0xc1: {  	[sflag:s0] =	ssyncadd.s32 @!p0 s1  }
0xc2: {  	[bflag:$0x3] =	sbarrier.arrive $0xFFFF  }
0xc3: {  	_ =	shalt  }

</sc_bundles>
